<compile_context>
chip_gen: v7x
topology: tpu7x:2x2x1
jax: 0.10.2.dev20260603
libtpu: 0.0.44.dev20260713+nightly
codegen_flags: <defaults>
</compile_context>

<pallas_src>
import jax
import jax.numpy as jnp
from jax import lax
from jax.experimental import pallas as pl
from jax.experimental.pallas import tpu as pltpu
from jax.experimental.pallas import tpu_sc as plsc

A_CH = 4
U_CH = 4
F_CH = 16
DIM_PHYS = 2
IN_CH = A_CH + U_CH
N_NODES = 10000
N_EDGES = 160000
BATCH = 2

NUM_CORES = 2
NUM_SUBCORES = 16
NUM_WORKERS = NUM_CORES * NUM_SUBCORES

CHUNK = 128
CHUNKS_PER_WORKER = 40
EDGES_PER_WORKER = CHUNK * CHUNKS_PER_WORKER
E_PAD = EDGES_PER_WORKER * NUM_WORKERS
N_FAKE = E_PAD - N_EDGES
N_ACC = N_NODES + NUM_SUBCORES
ROWS_PER_SUB = N_ACC // NUM_SUBCORES

PW_W = 16
MSG_W = 16

def _mesh():
  return plsc.VectorSubcoreMesh(core_axis_name="c", subcore_axis_name="s",
                                num_cores=NUM_CORES,
                                num_subcores=NUM_SUBCORES)


PW_ROWS_PER_SUB = N_NODES // NUM_SUBCORES


def _gather_body(pw_hbm, ei_hbm, a1_hbm, a2_hbm, idx_v, rows_v, sem,
                 pw_sh):
  c = lax.axis_index("c")
  s = lax.axis_index("s")
  wid = s * NUM_CORES + c
  base = wid * EDGES_PER_WORKER
  pltpu.sync_copy(pw_hbm.at[pl.ds(s * PW_ROWS_PER_SUB, PW_ROWS_PER_SUB)],
                  pw_sh.at[pl.ds(s * PW_ROWS_PER_SUB, PW_ROWS_PER_SUB)])
  plsc.subcore_barrier()

  def one_pass(row, out_hbm):
    pltpu.sync_copy(ei_hbm.at[row, pl.ds(wid * CHUNKS_PER_WORKER,
                                         CHUNKS_PER_WORKER)], idx_v)

    def fire(j, carry):
      pltpu.async_copy(pw_sh.at[idx_v.at[j]],
                       rows_v.at[pl.ds(j * CHUNK, CHUNK)], sem)
      return carry

    lax.fori_loop(0, CHUNKS_PER_WORKER, fire, 0)
    pltpu.make_async_copy(pw_hbm.at[pl.ds(0, EDGES_PER_WORKER)], rows_v,
                          sem).wait()
    pltpu.sync_copy(rows_v, out_hbm.at[pl.ds(base, EDGES_PER_WORKER)])

  one_pass(0, a1_hbm)
  one_pass(1, a2_hbm)


def _sc_gather(pw_pad, ei3):
  out = jax.ShapeDtypeStruct((E_PAD, PW_W), jnp.float32)
  fn = pl.kernel(
      _gather_body,
      out_type=(out, out),
      mesh=_mesh(),
      scratch_types=[
          pltpu.VMEM((CHUNKS_PER_WORKER, CHUNK), jnp.int32),
          pltpu.VMEM((EDGES_PER_WORKER, PW_W), jnp.float32),
          pltpu.SemaphoreType.DMA,
          pltpu.VMEM_SHARED((N_NODES, PW_W), jnp.float32),
      ],
      compiler_params=pltpu.CompilerParams(use_tc_tiling_on_sc=False),
  )
  return fn(pw_pad, ei3)


FAKE_CHUNK_START = (N_EDGES - (NUM_WORKERS - 1) * EDGES_PER_WORKER) // CHUNK


def _scatter_body(msg_hbm, ei_hbm, zer_hbm, ones_hbm, accm_hbm, accc_hbm,
                  idx_v, rows_v, ones_v, sem, sem2, accm_sh, accc_sh):
  c = lax.axis_index("c")
  s = lax.axis_index("s")
  wid = s * NUM_CORES + c
  pltpu.sync_copy(zer_hbm, accm_sh.at[pl.ds(s * ROWS_PER_SUB, ROWS_PER_SUB)])
  pltpu.sync_copy(zer_hbm, accc_sh.at[pl.ds(s * ROWS_PER_SUB, ROWS_PER_SUB)])
  pltpu.sync_copy(ones_hbm, ones_v)
  plsc.subcore_barrier()

  cbase = wid * CHUNKS_PER_WORKER
  pltpu.sync_copy(ei_hbm.at[1, pl.ds(cbase, CHUNKS_PER_WORKER)], idx_v)
  pltpu.sync_copy(msg_hbm.at[pl.ds(cbase * CHUNK, EDGES_PER_WORKER)], rows_v)

  def add(j, carry):
    cm = pltpu.async_copy(rows_v.at[pl.ds(j * CHUNK, CHUNK)],
                          accm_sh.at[idx_v.at[j]], sem, add=True)
    cc = pltpu.async_copy(ones_v, accc_sh.at[idx_v.at[j]], sem2, add=True)
    cm.wait()
    cc.wait()
    return carry

  nchunks = jnp.where(wid == NUM_WORKERS - 1, FAKE_CHUNK_START,
                      CHUNKS_PER_WORKER)
  lax.fori_loop(0, nchunks, add, 0)

  plsc.subcore_barrier()
  pltpu.sync_copy(accm_sh.at[pl.ds(s * ROWS_PER_SUB, ROWS_PER_SUB)],
                  accm_hbm.at[c, pl.ds(s * ROWS_PER_SUB, ROWS_PER_SUB)])
  pltpu.sync_copy(accc_sh.at[pl.ds(s * ROWS_PER_SUB, ROWS_PER_SUB)],
                  accc_hbm.at[c, pl.ds(s * ROWS_PER_SUB, ROWS_PER_SUB)])


def _sc_scatter(msg, ei3, zer, ones):
  out = jax.ShapeDtypeStruct((NUM_CORES, N_ACC, MSG_W), jnp.float32)
  fn = pl.kernel(
      _scatter_body,
      out_type=(out, out),
      mesh=_mesh(),
      scratch_types=[
          pltpu.VMEM((CHUNKS_PER_WORKER, CHUNK), jnp.int32),
          pltpu.VMEM((EDGES_PER_WORKER, MSG_W), jnp.float32),
          pltpu.VMEM((CHUNK, MSG_W), jnp.float32),
          pltpu.SemaphoreType.DMA,
          pltpu.SemaphoreType.DMA,
          pltpu.VMEM_SHARED((N_ACC, MSG_W), jnp.float32),
          pltpu.VMEM_SHARED((N_ACC, MSG_W), jnp.float32),
      ],
      compiler_params=pltpu.CompilerParams(use_tc_tiling_on_sc=False),
  )
  return fn(msg, ei3, zer, ones)


_SQRT_HALF = 0.7071067811865476


def _dot(x, y):
  return jnp.dot(x, y, preferred_element_type=jnp.float32)


PACK = 8
R_PACK = E_PAD // PACK


def _mlp_body(a1_ref, a2_ref, b1a_ref, b1b_ref, b1p_ref, bd_ref, sk_ref,
              bdb2_ref, o_ref):
  x1 = a1_ref[...]
  x2 = a2_ref[...]
  h = _dot(x1, b1a_ref[...]) + _dot(x2, b1b_ref[...]) + b1p_ref[...]
  h = 0.5 * h * (1.0 + lax.erf(h * _SQRT_HALF))
  acc = _dot(x1, bdb2_ref[...])
  for k in range(8):
    acc += _dot(h, sk_ref[k]) * _dot(x1, bd_ref[k])
  o_ref[...] = acc


def _tc_mlp(a1p, a2p, b1a, b1b, b1p, bd, sk, bdb2):
  rows = 4096
  grid = R_PACK // rows
  full = lambda i: (0, 0)
  full3 = lambda i: (0, 0, 0)
  return pl.pallas_call(
      _mlp_body,
      grid=(grid,),
      in_specs=[
          pl.BlockSpec((rows, 128), lambda i: (i, 0)),
          pl.BlockSpec((rows, 128), lambda i: (i, 0)),
          pl.BlockSpec((128, 64), full),
          pl.BlockSpec((128, 64), full),
          pl.BlockSpec((1, 64), full),
          pl.BlockSpec((8, 128, 128), full3),
          pl.BlockSpec((8, 64, 128), full3),
          pl.BlockSpec((128, 128), full),
      ],
      out_specs=pl.BlockSpec((rows, 128), lambda i: (i, 0)),
      out_shape=jax.ShapeDtypeStruct((R_PACK, 128), jnp.float32),
  )(a1p, a2p, b1a, b1b, b1p, bd, sk, bdb2)


ACC_ROWS = N_ACC * MSG_W // 128


def _combine_body(accm_ref, accc_ref, xp_ref, bdroot_ref, o_ref):
  sP = accm_ref[:ACC_ROWS] + accm_ref[ACC_ROWS:]
  cP = accc_ref[:ACC_ROWS] + accc_ref[ACC_ROWS:]
  meanP = sP / jnp.maximum(cP, 1.0)
  bdr = bdroot_ref[...]
  o_ref[:ACC_ROWS] = meanP + _dot(xp_ref[:ACC_ROWS], bdr)
  o_ref[ACC_ROWS:] = _dot(xp_ref[ACC_ROWS:], bdr)


def _tc_combine(accm, accc, xpP, bdroot):
  return pl.pallas_call(
      _combine_body,
      out_shape=jax.ShapeDtypeStruct((BATCH * ACC_ROWS, 128), jnp.float32),
  )(accm.reshape(BATCH * ACC_ROWS, 128), accc.reshape(BATCH * ACC_ROWS, 128),
    xpP, bdroot)


def kernel(a, u, grid, edge_index_one, w1, b1, w2, b2, root):
  ap = jnp.transpose(a, (0, 2, 1))
  up = jnp.transpose(u, (0, 2, 1))
  x = jnp.concatenate([ap, up], axis=-1)
  pw = jnp.concatenate([x[0], grid[0]], axis=-1)
  pw_pad = jnp.pad(pw, ((0, 0), (0, PW_W - IN_CH - DIM_PHYS)))

  ei3 = jnp.pad(edge_index_one,
                ((0, 0), (0, N_FAKE))).reshape(2, E_PAD // CHUNK, CHUNK)

  npad = PW_W - IN_CH - DIM_PHYS
  w1a = jnp.concatenate([w1[:IN_CH + DIM_PHYS],
                         jnp.zeros((npad, 8), jnp.float32)], axis=0)
  w1b = jnp.concatenate([w1[IN_CH + DIM_PHYS:],
                         jnp.zeros((npad, 8), jnp.float32)], axis=0)
  eye8 = jnp.eye(PACK, dtype=jnp.float32)
  b1a = jnp.kron(eye8, w1a)
  b1b = jnp.kron(eye8, w1b)
  b1p = jnp.tile(b1, (PACK,)).reshape(1, 64)
  w2r = w2.reshape(8, IN_CH, F_CH)
  w2r16 = jnp.concatenate(
      [w2r, jnp.zeros((8, PW_W - IN_CH, F_CH), jnp.float32)], axis=1)
  bd = jnp.stack([jnp.kron(eye8, w2r16[k]) for k in range(8)])
  sk = jnp.stack([
      jnp.kron(eye8, jnp.zeros((8, F_CH), jnp.float32).at[k].set(1.0))
      for k in range(8)])
  b2r16 = jnp.concatenate([
      b2.reshape(IN_CH, F_CH),
      jnp.zeros((PW_W - IN_CH, F_CH), jnp.float32)], axis=0)
  bdb2 = jnp.kron(eye8, b2r16)

  attr1, attr2 = _sc_gather(pw_pad, ei3)
  msgp = _tc_mlp(attr1.reshape(R_PACK, 128), attr2.reshape(R_PACK, 128),
                 b1a, b1b, b1p, bd, sk, bdb2)
  msg = msgp.reshape(E_PAD, MSG_W)
  zer = jnp.zeros((ROWS_PER_SUB, MSG_W), jnp.float32)
  ones = jnp.ones((CHUNK, MSG_W), jnp.float32)
  accm, accc = _sc_scatter(msg, ei3, zer, ones)
  xpad = jnp.pad(x, ((0, 0), (0, N_ACC - N_NODES), (0, PW_W - IN_CH)))
  xpP = xpad.reshape(BATCH * ACC_ROWS, 128)
  rootpad = jnp.pad(root, ((0, PW_W - IN_CH), (0, 0)))
  bdroot = jnp.kron(jnp.eye(PACK, dtype=jnp.float32), rootpad)
  outP = _tc_combine(accm, accc, xpP, bdroot)
  out = outP.reshape(BATCH, N_ACC, F_CH)[:, :N_NODES]
  return jnp.transpose(out, (0, 2, 1))

# --- scband reference (transcript-rebuilt; emitter-appended) ---
"""Pipeline reference for scband-graph-conv-positive-51187420234089 (READ-ONLY COPY).

The authoritative reference and input builder live on the scoring server;
editing this copy changes nothing except your own understanding.
"""

import jax, jax.numpy as jnp
import numpy as np

A_CH = 4
U_CH = 4
F_CH = 16
DIM_PHYS = 2
IN_CH = A_CH + U_CH
EDGE_CH = 2 * (IN_CH + DIM_PHYS)
N_NODES = 10000
N_EDGES = 160000
BATCH = 2


def setup_inputs(seed: int = 0) -> dict:
    key = jax.random.key(seed)
    ks = jax.random.split(key, 8)
    a = jax.random.normal(ks[0], (BATCH, A_CH, N_NODES), dtype=jnp.float32)
    u = jax.random.normal(ks[1], (BATCH, U_CH, N_NODES), dtype=jnp.float32)
    grid = jax.random.uniform(ks[2], (BATCH, N_NODES, DIM_PHYS), dtype=jnp.float32)
    edge_index_one = jax.random.randint(ks[3], (2, N_EDGES), 0, N_NODES, dtype=jnp.int32)
    w1 = jax.random.normal(ks[4], (EDGE_CH, 8), dtype=jnp.float32) * (1.0 / np.sqrt(EDGE_CH))
    b1 = jnp.zeros((8,), dtype=jnp.float32)
    w2 = jax.random.normal(ks[5], (8, IN_CH * F_CH), dtype=jnp.float32) * (1.0 / np.sqrt(8.0))
    b2 = jnp.zeros((IN_CH * F_CH,), dtype=jnp.float32)
    root = jax.random.normal(ks[6], (IN_CH, F_CH), dtype=jnp.float32) * (1.0 / np.sqrt(IN_CH))
    return {"a": a, "u": u, "grid": grid, "edge_index_one": edge_index_one,
            "w1": w1, "b1": b1, "w2": w2, "b2": b2, "root": root}


def reference(a, u, grid, edge_index_one, w1, b1, w2, b2, root):
    batch = a.shape[0]
    ap = jnp.transpose(a, (0, 2, 1))   # [B, N, A_CH]
    up = jnp.transpose(u, (0, 2, 1))   # [B, N, U_CH]
    x = jnp.concatenate([ap, up], axis=-1)             # [B, N, IN_CH]
    # edge_index_one.repeat(1, 1, B).view(2, -1) == tile along last dim
    ei = jnp.tile(edge_index_one, (1, batch))           # [2, E*B]
    # _get_edge_attr (note: original swaps a/u channel dims; valid since A_CH == U_CH)
    a0 = ap.reshape(-1, U_CH)
    u0 = up.reshape(-1, A_CH)
    pw = jnp.concatenate([a0, u0, grid.reshape(-1, 2)], axis=-1)   # [B*N, EDGE_CH/2]
    attr1 = jnp.take(pw, ei[0], axis=0)
    attr2 = jnp.take(pw, ei[1], axis=0)
    attr = jnp.concatenate([attr1, attr2], axis=-1)     # [E*B, EDGE_CH]
    # kernel MLP -> per-edge weight matrix
    h = jax.nn.gelu(attr @ w1 + b1, approximate=False)
    wdyn = (h @ w2 + b2).reshape(-1, IN_CH, F_CH)       # [E*B, IN_CH, F_CH]
    xf = x.reshape(-1, IN_CH)                           # [B*N, IN_CH]
    xj = jnp.take(xf, ei[0], axis=0)                    # gather source nodes
    msg = jnp.einsum('ei,eio->eo', xj, wdyn)            # [E*B, F_CH]
    n_total = batch * N_NODES
    summed = jax.ops.segment_sum(msg, ei[1], num_segments=n_total)
    cnt = jax.ops.segment_sum(jnp.ones((ei.shape[1],), dtype=jnp.float32), ei[1], num_segments=n_total)
    mean = summed / jnp.clip(cnt, 1.0)[:, None]         # aggr='mean'
    out = mean + xf @ root                              # root_weight=True, bias=False
    out = out.reshape(batch, N_NODES, F_CH)
    return jnp.transpose(out, (0, 2, 1))

if __name__ == "__main__":
    import jax
    _d = setup_inputs()
    print(jax.jit(kernel)(*tuple(_d.values())))

</pallas_src>

<mosaic_0001>
#map = affine_map<(d0, d1) -> (0, 0)>
#map1 = affine_map<(d0, d1) -> (0, 0, 0)>
module attributes {stable_mosaic.version = 14 : i64} {
  func.func @_scatter_body(%arg0: i32, %arg1: i32, %arg2: memref<163840x16xf32, #tpu.memory_space<hbm>>, %arg3: memref<2x1280x128xi32, #tpu.memory_space<hbm>>, %arg4: memref<626x16xf32, #tpu.memory_space<hbm>>, %arg5: memref<128x16xf32, #tpu.memory_space<hbm>>, %arg6: memref<2x10016x16xf32, #tpu.memory_space<hbm>>, %arg7: memref<2x10016x16xf32, #tpu.memory_space<hbm>>, %arg8: memref<40x128xi32, #tpu.memory_space<vmem>>, %arg9: memref<5120x16xf32, #tpu.memory_space<vmem>>, %arg10: memref<128x16xf32, #tpu.memory_space<vmem>>, %arg11: memref<!tpu.dma_semaphore, #tpu.memory_space<semaphore_mem>>, %arg12: memref<!tpu.dma_semaphore, #tpu.memory_space<semaphore_mem>>, %arg13: memref<10016x16xf32, #tpu.memory_space<vmem_shared>>, %arg14: memref<10016x16xf32, #tpu.memory_space<vmem_shared>>) attributes {dimension_semantics = [#tpu.dimension_semantics<core_parallel>, #tpu.dimension_semantics<subcore_parallel>], iteration_bounds = array<i64: 2, 16>, scalar_prefetch = 0 : i64, scratch_operands = 7 : i64, tpu.core_type = #tpu.core_type<sc_vector_subcore>, window_params = [{transform_indices = #map}, {transform_indices = #map1}, {transform_indices = #map}, {transform_indices = #map}, {transform_indices = #map1}, {transform_indices = #map1}]} {
    %mul3A = arith.constant 2 : i32
    %mul3A_0 = arith.muli %arg1, %mul3A : i32
    %add3A = arith.addi %mul3A_0, %arg0 : i32
    %mul3A_1 = arith.constant 626 : i32
    %mul3A_2 = arith.muli %arg1, %mul3A_1 : i32
    "tpu.region"() ({
      %run_scoped3A_29 = tpu.sem_alloc : memref<!tpu.dma_semaphore, #tpu.memory_space<semaphore_mem>>
      %dma_start3A = arith.constant 0 : i32
      %dma_start3A_30 = tpu.memref_slice %arg13[%mul3A_2, %dma_start3A] : memref<10016x16xf32, #tpu.memory_space<vmem_shared>> -> memref<626x16xf32, #tpu.memory_space<vmem_shared>>
      tpu.enqueue_dma source(%arg4 : memref<626x16xf32, #tpu.memory_space<hbm>>) target(%dma_start3A_30 : memref<626x16xf32, #tpu.memory_space<vmem_shared>>) target_semaphore(%run_scoped3A_29 : memref<!tpu.dma_semaphore, #tpu.memory_space<semaphore_mem>>)
      %dma_wait3A = arith.constant 0 : i32
      %dma_wait3A_31 = tpu.memref_slice %arg13[%mul3A_2, %dma_wait3A] : memref<10016x16xf32, #tpu.memory_space<vmem_shared>> -> memref<626x16xf32, #tpu.memory_space<vmem_shared>>
      tpu.wait_dma2 semaphore(%run_scoped3A_29 : memref<!tpu.dma_semaphore, #tpu.memory_space<semaphore_mem>>) src(%arg4 : memref<626x16xf32, #tpu.memory_space<hbm>>) dst(%dma_wait3A_31 : memref<626x16xf32, #tpu.memory_space<vmem_shared>>)
      tpu.yield
    }) : () -> ()
    %mul3A_3 = arith.constant 626 : i32
    %mul3A_4 = arith.muli %arg1, %mul3A_3 : i32
    "tpu.region"() ({
      %run_scoped3A_29 = tpu.sem_alloc : memref<!tpu.dma_semaphore, #tpu.memory_space<semaphore_mem>>
      %dma_start3A = arith.constant 0 : i32
      %dma_start3A_30 = tpu.memref_slice %arg14[%mul3A_4, %dma_start3A] : memref<10016x16xf32, #tpu.memory_space<vmem_shared>> -> memref<626x16xf32, #tpu.memory_space<vmem_shared>>
      tpu.enqueue_dma source(%arg4 : memref<626x16xf32, #tpu.memory_space<hbm>>) target(%dma_start3A_30 : memref<626x16xf32, #tpu.memory_space<vmem_shared>>) target_semaphore(%run_scoped3A_29 : memref<!tpu.dma_semaphore, #tpu.memory_space<semaphore_mem>>)
      %dma_wait3A = arith.constant 0 : i32
      %dma_wait3A_31 = tpu.memref_slice %arg14[%mul3A_4, %dma_wait3A] : memref<10016x16xf32, #tpu.memory_space<vmem_shared>> -> memref<626x16xf32, #tpu.memory_space<vmem_shared>>
      tpu.wait_dma2 semaphore(%run_scoped3A_29 : memref<!tpu.dma_semaphore, #tpu.memory_space<semaphore_mem>>) src(%arg4 : memref<626x16xf32, #tpu.memory_space<hbm>>) dst(%dma_wait3A_31 : memref<626x16xf32, #tpu.memory_space<vmem_shared>>)
      tpu.yield
    }) : () -> ()
    "tpu.region"() ({
      %run_scoped3A_29 = tpu.sem_alloc : memref<!tpu.dma_semaphore, #tpu.memory_space<semaphore_mem>>
      tpu.enqueue_dma source(%arg5 : memref<128x16xf32, #tpu.memory_space<hbm>>) target(%arg10 : memref<128x16xf32, #tpu.memory_space<vmem>>) target_semaphore(%run_scoped3A_29 : memref<!tpu.dma_semaphore, #tpu.memory_space<semaphore_mem>>)
      tpu.wait_dma2 semaphore(%run_scoped3A_29 : memref<!tpu.dma_semaphore, #tpu.memory_space<semaphore_mem>>) src(%arg5 : memref<128x16xf32, #tpu.memory_space<hbm>>) dst(%arg10 : memref<128x16xf32, #tpu.memory_space<vmem>>)
      tpu.yield
    }) : () -> ()
    %barrier3A = arith.constant 0 : index
    tpu.barrier barrier_id(%barrier3A)
    %mul3A_5 = arith.constant 40 : i32
    %mul3A_6 = arith.muli %add3A, %mul3A_5 : i32
    %run_scoped3A = arith.constant 1 : i32
    "tpu.region"() ({
      %run_scoped3A_29 = tpu.sem_alloc : memref<!tpu.dma_semaphore, #tpu.memory_space<semaphore_mem>>
      %dma_start3A = arith.constant 0 : i32
      %dma_start3A_30 = tpu.memref_slice %arg3[%run_scoped3A, %mul3A_6, %dma_start3A] : memref<2x1280x128xi32, #tpu.memory_space<hbm>> -> memref<1x40x128xi32, #tpu.memory_space<hbm>>
      %dma_start3A_31 = tpu.memref_squeeze %dma_start3A_30 : memref<1x40x128xi32, #tpu.memory_space<hbm>> -> memref<40x128xi32, #tpu.memory_space<hbm>>
      %dma_start3A_32 = arith.constant 0 : i32
      %dma_start3A_33 = tpu.memref_slice %arg3[%run_scoped3A, %mul3A_6, %dma_start3A_32] : memref<2x1280x128xi32, #tpu.memory_space<hbm>> -> memref<1x40x128xi32, #tpu.memory_space<hbm>>
      %dma_start3A_34 = tpu.memref_squeeze %dma_start3A_33 : memref<1x40x128xi32, #tpu.memory_space<hbm>> -> memref<40x128xi32, #tpu.memory_space<hbm>>
      tpu.enqueue_dma source(%dma_start3A_34 : memref<40x128xi32, #tpu.memory_space<hbm>>) target(%arg8 : memref<40x128xi32, #tpu.memory_space<vmem>>) target_semaphore(%run_scoped3A_29 : memref<!tpu.dma_semaphore, #tpu.memory_space<semaphore_mem>>)
      %dma_wait3A = arith.constant 0 : i32
      %dma_wait3A_35 = tpu.memref_slice %arg3[%run_scoped3A, %mul3A_6, %dma_wait3A] : memref<2x1280x128xi32, #tpu.memory_space<hbm>> -> memref<1x40x128xi32, #tpu.memory_space<hbm>>
      %dma_wait3A_36 = tpu.memref_squeeze %dma_wait3A_35 : memref<1x40x128xi32, #tpu.memory_space<hbm>> -> memref<40x128xi32, #tpu.memory_space<hbm>>
      %dma_wait3A_37 = arith.constant 0 : i32
      %dma_wait3A_38 = tpu.memref_slice %arg3[%run_scoped3A, %mul3A_6, %dma_wait3A_37] : memref<2x1280x128xi32, #tpu.memory_space<hbm>> -> memref<1x40x128xi32, #tpu.memory_space<hbm>>
      %dma_wait3A_39 = tpu.memref_squeeze %dma_wait3A_38 : memref<1x40x128xi32, #tpu.memory_space<hbm>> -> memref<40x128xi32, #tpu.memory_space<hbm>>
      tpu.wait_dma2 semaphore(%run_scoped3A_29 : memref<!tpu.dma_semaphore, #tpu.memory_space<semaphore_mem>>) src(%dma_wait3A_39 : memref<40x128xi32, #tpu.memory_space<hbm>>) dst(%arg8 : memref<40x128xi32, #tpu.memory_space<vmem>>)
      tpu.yield
    }) : () -> ()
    %mul3A_7 = arith.constant 128 : i32
    %mul3A_8 = arith.muli %mul3A_6, %mul3A_7 : i32
    "tpu.region"() ({
      %run_scoped3A_29 = tpu.sem_alloc : memref<!tpu.dma_semaphore, #tpu.memory_space<semaphore_mem>>
      %dma_start3A = arith.constant 0 : i32
      %dma_start3A_30 = tpu.memref_slice %arg2[%mul3A_8, %dma_start3A] : memref<163840x16xf32, #tpu.memory_space<hbm>> -> memref<5120x16xf32, #tpu.memory_space<hbm>>
      %dma_start3A_31 = arith.constant 0 : i32
      %dma_start3A_32 = tpu.memref_slice %arg2[%mul3A_8, %dma_start3A_31] : memref<163840x16xf32, #tpu.memory_space<hbm>> -> memref<5120x16xf32, #tpu.memory_space<hbm>>
      tpu.enqueue_dma source(%dma_start3A_32 : memref<5120x16xf32, #tpu.memory_space<hbm>>) target(%arg9 : memref<5120x16xf32, #tpu.memory_space<vmem>>) target_semaphore(%run_scoped3A_29 : memref<!tpu.dma_semaphore, #tpu.memory_space<semaphore_mem>>)
      %dma_wait3A = arith.constant 0 : i32
      %dma_wait3A_33 = tpu.memref_slice %arg2[%mul3A_8, %dma_wait3A] : memref<163840x16xf32, #tpu.memory_space<hbm>> -> memref<5120x16xf32, #tpu.memory_space<hbm>>
      %dma_wait3A_34 = arith.constant 0 : i32
      %dma_wait3A_35 = tpu.memref_slice %arg2[%mul3A_8, %dma_wait3A_34] : memref<163840x16xf32, #tpu.memory_space<hbm>> -> memref<5120x16xf32, #tpu.memory_space<hbm>>
      tpu.wait_dma2 semaphore(%run_scoped3A_29 : memref<!tpu.dma_semaphore, #tpu.memory_space<semaphore_mem>>) src(%dma_wait3A_35 : memref<5120x16xf32, #tpu.memory_space<hbm>>) dst(%arg9 : memref<5120x16xf32, #tpu.memory_space<vmem>>)
      tpu.yield
    }) : () -> ()
    %eq3A = arith.constant 31 : i32
    %eq3A_9 = arith.cmpi eq, %add3A, %eq3A : i32
    %jit3A = arith.constant 10 : i32
    %jit3A_10 = arith.constant 40 : i32
    %select_n3A = arith.select %eq3A_9, %jit3A, %jit3A_10 : i32
    %while3A = arith.constant 0 : i32
    %while3A_11 = arith.constant 0 : i32
    %while3A_12 = arith.subi %select_n3A, %while3A_11 : i32
    %while3A_13 = arith.addi %while3A_11, %while3A_12 : i32
    %while3A_14 = arith.constant 1 : i32
    %while3A_15 = arith.divsi %while3A_12, %while3A_14 : i32
    %while3A_16 = arith.muli %while3A_15, %while3A_14 : i32
    %while3A_17 = arith.addi %while3A_11, %while3A_16 : i32
    %while3A_18 = arith.constant 1 : i32
    scf.for %while3A_29 = %while3A_11 to %while3A_17 step %while3A_18  : i32 {
      %mul3A_30 = arith.constant 128 : i32
      %mul3A_31 = arith.muli %while3A_29, %mul3A_30 : i32
      %dma_start3A = arith.constant 0 : i32
      %dma_start3A_32 = tpu.memref_slice %arg9[%mul3A_31, %dma_start3A] : memref<5120x16xf32, #tpu.memory_space<vmem>> -> memref<128x16xf32, #tpu.memory_space<vmem>>
      %dma_start3A_33 = arith.constant 0 : i32
      %dma_start3A_34 = tpu.memref_slice %arg8[%while3A_29, %dma_start3A_33] : memref<40x128xi32, #tpu.memory_space<vmem>> -> memref<1x128xi32, #tpu.memory_space<vmem>>
      %dma_start3A_35 = tpu.memref_squeeze %dma_start3A_34 : memref<1x128xi32, #tpu.memory_space<vmem>> -> memref<128xi32, #tpu.memory_space<vmem>>
      %dma_start3A_36 = arith.constant 0 : i32
      %dma_start3A_37 = arith.constant 0 : i32
      %dma_start3A_38 = tpu.memref_slice %arg13[%dma_start3A_36, %dma_start3A_37] : memref<10016x16xf32, #tpu.memory_space<vmem_shared>> -> memref<10016x16xf32, #tpu.memory_space<vmem_shared>>
      tpu.enqueue_indirect_dma source(%dma_start3A_32 : memref<128x16xf32, #tpu.memory_space<vmem>>) target(%dma_start3A_38 : memref<10016x16xf32, #tpu.memory_space<vmem_shared>>) offsets(%dma_start3A_35 : memref<128xi32, #tpu.memory_space<vmem>>) semaphore(%arg11 : memref<!tpu.dma_semaphore, #tpu.memory_space<semaphore_mem>>) {add = true}
      %dma_start3A_39 = arith.constant 0 : i32
      %dma_start3A_40 = tpu.memref_slice %arg8[%while3A_29, %dma_start3A_39] : memref<40x128xi32, #tpu.memory_space<vmem>> -> memref<1x128xi32, #tpu.memory_space<vmem>>
      %dma_start3A_41 = tpu.memref_squeeze %dma_start3A_40 : memref<1x128xi32, #tpu.memory_space<vmem>> -> memref<128xi32, #tpu.memory_space<vmem>>
      %dma_start3A_42 = arith.constant 0 : i32
      %dma_start3A_43 = arith.constant 0 : i32
      %dma_start3A_44 = tpu.memref_slice %arg14[%dma_start3A_42, %dma_start3A_43] : memref<10016x16xf32, #tpu.memory_space<vmem_shared>> -> memref<10016x16xf32, #tpu.memory_space<vmem_shared>>
      tpu.enqueue_indirect_dma source(%arg10 : memref<128x16xf32, #tpu.memory_space<vmem>>) target(%dma_start3A_44 : memref<10016x16xf32, #tpu.memory_space<vmem_shared>>) offsets(%dma_start3A_41 : memref<128xi32, #tpu.memory_space<vmem>>) semaphore(%arg12 : memref<!tpu.dma_semaphore, #tpu.memory_space<semaphore_mem>>) {add = true}
      %dma_wait3A = arith.constant 0 : i32
      %dma_wait3A_45 = tpu.memref_slice %arg9[%mul3A_31, %dma_wait3A] : memref<5120x16xf32, #tpu.memory_space<vmem>> -> memref<128x16xf32, #tpu.memory_space<vmem>>
      %dma_wait3A_46 = arith.constant 0 : i32
      %dma_wait3A_47 = tpu.memref_slice %arg8[%while3A_29, %dma_wait3A_46] : memref<40x128xi32, #tpu.memory_space<vmem>> -> memref<1x128xi32, #tpu.memory_space<vmem>>
      %dma_wait3A_48 = tpu.memref_squeeze %dma_wait3A_47 : memref<1x128xi32, #tpu.memory_space<vmem>> -> memref<128xi32, #tpu.memory_space<vmem>>
      %dma_wait3A_49 = arith.constant 0 : i32
      %dma_wait3A_50 = arith.constant 0 : i32
      %dma_wait3A_51 = tpu.memref_slice %arg13[%dma_wait3A_49, %dma_wait3A_50] : memref<10016x16xf32, #tpu.memory_space<vmem_shared>> -> memref<10016x16xf32, #tpu.memory_space<vmem_shared>>
      tpu.wait_indirect_dma semaphore(%arg11 : memref<!tpu.dma_semaphore, #tpu.memory_space<semaphore_mem>>) src(%dma_wait3A_45 : memref<128x16xf32, #tpu.memory_space<vmem>>) dst(%dma_wait3A_51 : memref<10016x16xf32, #tpu.memory_space<vmem_shared>>)
      %dma_wait3A_52 = arith.constant 0 : i32
      %dma_wait3A_53 = tpu.memref_slice %arg8[%while3A_29, %dma_wait3A_52] : memref<40x128xi32, #tpu.memory_space<vmem>> -> memref<1x128xi32, #tpu.memory_space<vmem>>
      %dma_wait3A_54 = tpu.memref_squeeze %dma_wait3A_53 : memref<1x128xi32, #tpu.memory_space<vmem>> -> memref<128xi32, #tpu.memory_space<vmem>>
      %dma_wait3A_55 = arith.constant 0 : i32
      %dma_wait3A_56 = arith.constant 0 : i32
      %dma_wait3A_57 = tpu.memref_slice %arg14[%dma_wait3A_55, %dma_wait3A_56] : memref<10016x16xf32, #tpu.memory_space<vmem_shared>> -> memref<10016x16xf32, #tpu.memory_space<vmem_shared>>
      tpu.wait_indirect_dma semaphore(%arg12 : memref<!tpu.dma_semaphore, #tpu.memory_space<semaphore_mem>>) src(%arg10 : memref<128x16xf32, #tpu.memory_space<vmem>>) dst(%dma_wait3A_57 : memref<10016x16xf32, #tpu.memory_space<vmem_shared>>)
    }
    %while3A_19 = arith.constant 1 : i32
    scf.for %while3A_29 = %while3A_17 to %while3A_13 step %while3A_19  : i32 {
      %mul3A_30 = arith.constant 128 : i32
      %mul3A_31 = arith.muli %while3A_29, %mul3A_30 : i32
      %dma_start3A = arith.constant 0 : i32
      %dma_start3A_32 = tpu.memref_slice %arg9[%mul3A_31, %dma_start3A] : memref<5120x16xf32, #tpu.memory_space<vmem>> -> memref<128x16xf32, #tpu.memory_space<vmem>>
      %dma_start3A_33 = arith.constant 0 : i32
      %dma_start3A_34 = tpu.memref_slice %arg8[%while3A_29, %dma_start3A_33] : memref<40x128xi32, #tpu.memory_space<vmem>> -> memref<1x128xi32, #tpu.memory_space<vmem>>
      %dma_start3A_35 = tpu.memref_squeeze %dma_start3A_34 : memref<1x128xi32, #tpu.memory_space<vmem>> -> memref<128xi32, #tpu.memory_space<vmem>>
      %dma_start3A_36 = arith.constant 0 : i32
      %dma_start3A_37 = arith.constant 0 : i32
      %dma_start3A_38 = tpu.memref_slice %arg13[%dma_start3A_36, %dma_start3A_37] : memref<10016x16xf32, #tpu.memory_space<vmem_shared>> -> memref<10016x16xf32, #tpu.memory_space<vmem_shared>>
      tpu.enqueue_indirect_dma source(%dma_start3A_32 : memref<128x16xf32, #tpu.memory_space<vmem>>) target(%dma_start3A_38 : memref<10016x16xf32, #tpu.memory_space<vmem_shared>>) offsets(%dma_start3A_35 : memref<128xi32, #tpu.memory_space<vmem>>) semaphore(%arg11 : memref<!tpu.dma_semaphore, #tpu.memory_space<semaphore_mem>>) {add = true}
      %dma_start3A_39 = arith.constant 0 : i32
      %dma_start3A_40 = tpu.memref_slice %arg8[%while3A_29, %dma_start3A_39] : memref<40x128xi32, #tpu.memory_space<vmem>> -> memref<1x128xi32, #tpu.memory_space<vmem>>
      %dma_start3A_41 = tpu.memref_squeeze %dma_start3A_40 : memref<1x128xi32, #tpu.memory_space<vmem>> -> memref<128xi32, #tpu.memory_space<vmem>>
      %dma_start3A_42 = arith.constant 0 : i32
      %dma_start3A_43 = arith.constant 0 : i32
      %dma_start3A_44 = tpu.memref_slice %arg14[%dma_start3A_42, %dma_start3A_43] : memref<10016x16xf32, #tpu.memory_space<vmem_shared>> -> memref<10016x16xf32, #tpu.memory_space<vmem_shared>>
      tpu.enqueue_indirect_dma source(%arg10 : memref<128x16xf32, #tpu.memory_space<vmem>>) target(%dma_start3A_44 : memref<10016x16xf32, #tpu.memory_space<vmem_shared>>) offsets(%dma_start3A_41 : memref<128xi32, #tpu.memory_space<vmem>>) semaphore(%arg12 : memref<!tpu.dma_semaphore, #tpu.memory_space<semaphore_mem>>) {add = true}
      %dma_wait3A = arith.constant 0 : i32
      %dma_wait3A_45 = tpu.memref_slice %arg9[%mul3A_31, %dma_wait3A] : memref<5120x16xf32, #tpu.memory_space<vmem>> -> memref<128x16xf32, #tpu.memory_space<vmem>>
      %dma_wait3A_46 = arith.constant 0 : i32
      %dma_wait3A_47 = tpu.memref_slice %arg8[%while3A_29, %dma_wait3A_46] : memref<40x128xi32, #tpu.memory_space<vmem>> -> memref<1x128xi32, #tpu.memory_space<vmem>>
      %dma_wait3A_48 = tpu.memref_squeeze %dma_wait3A_47 : memref<1x128xi32, #tpu.memory_space<vmem>> -> memref<128xi32, #tpu.memory_space<vmem>>
      %dma_wait3A_49 = arith.constant 0 : i32
      %dma_wait3A_50 = arith.constant 0 : i32
      %dma_wait3A_51 = tpu.memref_slice %arg13[%dma_wait3A_49, %dma_wait3A_50] : memref<10016x16xf32, #tpu.memory_space<vmem_shared>> -> memref<10016x16xf32, #tpu.memory_space<vmem_shared>>
      tpu.wait_indirect_dma semaphore(%arg11 : memref<!tpu.dma_semaphore, #tpu.memory_space<semaphore_mem>>) src(%dma_wait3A_45 : memref<128x16xf32, #tpu.memory_space<vmem>>) dst(%dma_wait3A_51 : memref<10016x16xf32, #tpu.memory_space<vmem_shared>>)
      %dma_wait3A_52 = arith.constant 0 : i32
      %dma_wait3A_53 = tpu.memref_slice %arg8[%while3A_29, %dma_wait3A_52] : memref<40x128xi32, #tpu.memory_space<vmem>> -> memref<1x128xi32, #tpu.memory_space<vmem>>
      %dma_wait3A_54 = tpu.memref_squeeze %dma_wait3A_53 : memref<1x128xi32, #tpu.memory_space<vmem>> -> memref<128xi32, #tpu.memory_space<vmem>>
      %dma_wait3A_55 = arith.constant 0 : i32
      %dma_wait3A_56 = arith.constant 0 : i32
      %dma_wait3A_57 = tpu.memref_slice %arg14[%dma_wait3A_55, %dma_wait3A_56] : memref<10016x16xf32, #tpu.memory_space<vmem_shared>> -> memref<10016x16xf32, #tpu.memory_space<vmem_shared>>
      tpu.wait_indirect_dma semaphore(%arg12 : memref<!tpu.dma_semaphore, #tpu.memory_space<semaphore_mem>>) src(%arg10 : memref<128x16xf32, #tpu.memory_space<vmem>>) dst(%dma_wait3A_57 : memref<10016x16xf32, #tpu.memory_space<vmem_shared>>)
    }
    %barrier3A_20 = arith.constant 0 : index
    tpu.barrier barrier_id(%barrier3A_20)
    %mul3A_21 = arith.constant 626 : i32
    %mul3A_22 = arith.muli %arg1, %mul3A_21 : i32
    %mul3A_23 = arith.constant 626 : i32
    %mul3A_24 = arith.muli %arg1, %mul3A_23 : i32
    "tpu.region"() ({
      %run_scoped3A_29 = tpu.sem_alloc : memref<!tpu.dma_semaphore, #tpu.memory_space<semaphore_mem>>
      %dma_start3A = arith.constant 0 : i32
      %dma_start3A_30 = tpu.memref_slice %arg6[%arg0, %mul3A_24, %dma_start3A] : memref<2x10016x16xf32, #tpu.memory_space<hbm>> -> memref<1x626x16xf32, #tpu.memory_space<hbm>>
      %dma_start3A_31 = tpu.memref_squeeze %dma_start3A_30 : memref<1x626x16xf32, #tpu.memory_space<hbm>> -> memref<626x16xf32, #tpu.memory_space<hbm>>
      %dma_start3A_32 = arith.constant 0 : i32
      %dma_start3A_33 = tpu.memref_slice %arg13[%mul3A_22, %dma_start3A_32] : memref<10016x16xf32, #tpu.memory_space<vmem_shared>> -> memref<626x16xf32, #tpu.memory_space<vmem_shared>>
      tpu.enqueue_dma source(%dma_start3A_33 : memref<626x16xf32, #tpu.memory_space<vmem_shared>>) target(%dma_start3A_31 : memref<626x16xf32, #tpu.memory_space<hbm>>) target_semaphore(%run_scoped3A_29 : memref<!tpu.dma_semaphore, #tpu.memory_space<semaphore_mem>>)
      %dma_wait3A = arith.constant 0 : i32
      %dma_wait3A_34 = tpu.memref_slice %arg6[%arg0, %mul3A_24, %dma_wait3A] : memref<2x10016x16xf32, #tpu.memory_space<hbm>> -> memref<1x626x16xf32, #tpu.memory_space<hbm>>
      %dma_wait3A_35 = tpu.memref_squeeze %dma_wait3A_34 : memref<1x626x16xf32, #tpu.memory_space<hbm>> -> memref<626x16xf32, #tpu.memory_space<hbm>>
      %dma_wait3A_36 = arith.constant 0 : i32
      %dma_wait3A_37 = tpu.memref_slice %arg13[%mul3A_22, %dma_wait3A_36] : memref<10016x16xf32, #tpu.memory_space<vmem_shared>> -> memref<626x16xf32, #tpu.memory_space<vmem_shared>>
      tpu.wait_dma2 semaphore(%run_scoped3A_29 : memref<!tpu.dma_semaphore, #tpu.memory_space<semaphore_mem>>) src(%dma_wait3A_37 : memref<626x16xf32, #tpu.memory_space<vmem_shared>>) dst(%dma_wait3A_35 : memref<626x16xf32, #tpu.memory_space<hbm>>)
      tpu.yield
    }) : () -> ()
    %mul3A_25 = arith.constant 626 : i32
    %mul3A_26 = arith.muli %arg1, %mul3A_25 : i32
    %mul3A_27 = arith.constant 626 : i32
    %mul3A_28 = arith.muli %arg1, %mul3A_27 : i32
    "tpu.region"() ({
      %run_scoped3A_29 = tpu.sem_alloc : memref<!tpu.dma_semaphore, #tpu.memory_space<semaphore_mem>>
      %dma_start3A = arith.constant 0 : i32
      %dma_start3A_30 = tpu.memref_slice %arg7[%arg0, %mul3A_28, %dma_start3A] : memref<2x10016x16xf32, #tpu.memory_space<hbm>> -> memref<1x626x16xf32, #tpu.memory_space<hbm>>
      %dma_start3A_31 = tpu.memref_squeeze %dma_start3A_30 : memref<1x626x16xf32, #tpu.memory_space<hbm>> -> memref<626x16xf32, #tpu.memory_space<hbm>>
      %dma_start3A_32 = arith.constant 0 : i32
      %dma_start3A_33 = tpu.memref_slice %arg14[%mul3A_26, %dma_start3A_32] : memref<10016x16xf32, #tpu.memory_space<vmem_shared>> -> memref<626x16xf32, #tpu.memory_space<vmem_shared>>
      tpu.enqueue_dma source(%dma_start3A_33 : memref<626x16xf32, #tpu.memory_space<vmem_shared>>) target(%dma_start3A_31 : memref<626x16xf32, #tpu.memory_space<hbm>>) target_semaphore(%run_scoped3A_29 : memref<!tpu.dma_semaphore, #tpu.memory_space<semaphore_mem>>)
      %dma_wait3A = arith.constant 0 : i32
      %dma_wait3A_34 = tpu.memref_slice %arg7[%arg0, %mul3A_28, %dma_wait3A] : memref<2x10016x16xf32, #tpu.memory_space<hbm>> -> memref<1x626x16xf32, #tpu.memory_space<hbm>>
      %dma_wait3A_35 = tpu.memref_squeeze %dma_wait3A_34 : memref<1x626x16xf32, #tpu.memory_space<hbm>> -> memref<626x16xf32, #tpu.memory_space<hbm>>
      %dma_wait3A_36 = arith.constant 0 : i32
      %dma_wait3A_37 = tpu.memref_slice %arg14[%mul3A_26, %dma_wait3A_36] : memref<10016x16xf32, #tpu.memory_space<vmem_shared>> -> memref<626x16xf32, #tpu.memory_space<vmem_shared>>
      tpu.wait_dma2 semaphore(%run_scoped3A_29 : memref<!tpu.dma_semaphore, #tpu.memory_space<semaphore_mem>>) src(%dma_wait3A_37 : memref<626x16xf32, #tpu.memory_space<vmem_shared>>) dst(%dma_wait3A_35 : memref<626x16xf32, #tpu.memory_space<hbm>>)
      tpu.yield
    }) : () -> ()
    return
  }
}

#map = affine_map<(d0, d1) -> (0, 0)>
#map1 = affine_map<(d0, d1) -> (0, 0, 0)>
module attributes {stable_mosaic.version = 14 : i64} {
  func.func @_gather_body(%arg0: i32, %arg1: i32, %arg2: memref<10000x16xf32, #tpu.memory_space<hbm>>, %arg3: memref<2x1280x128xi32, #tpu.memory_space<hbm>>, %arg4: memref<163840x16xf32, #tpu.memory_space<hbm>>, %arg5: memref<163840x16xf32, #tpu.memory_space<hbm>>, %arg6: memref<40x128xi32, #tpu.memory_space<vmem>>, %arg7: memref<5120x16xf32, #tpu.memory_space<vmem>>, %arg8: memref<!tpu.dma_semaphore, #tpu.memory_space<semaphore_mem>>, %arg9: memref<10000x16xf32, #tpu.memory_space<vmem_shared>>) attributes {dimension_semantics = [#tpu.dimension_semantics<core_parallel>, #tpu.dimension_semantics<subcore_parallel>], iteration_bounds = array<i64: 2, 16>, scalar_prefetch = 0 : i64, scratch_operands = 4 : i64, tpu.core_type = #tpu.core_type<sc_vector_subcore>, window_params = [{transform_indices = #map}, {transform_indices = #map1}, {transform_indices = #map}, {transform_indices = #map}]} {
    %mul3A = arith.constant 2 : i32
    %mul3A_0 = arith.muli %arg1, %mul3A : i32
    %add3A = arith.addi %mul3A_0, %arg0 : i32
    %mul3A_1 = arith.constant 5120 : i32
    %mul3A_2 = arith.muli %add3A, %mul3A_1 : i32
    %mul3A_3 = arith.constant 625 : i32
    %mul3A_4 = arith.muli %arg1, %mul3A_3 : i32
    %mul3A_5 = arith.constant 625 : i32
    %mul3A_6 = arith.muli %arg1, %mul3A_5 : i32
    "tpu.region"() ({
      %run_scoped3A_34 = tpu.sem_alloc : memref<!tpu.dma_semaphore, #tpu.memory_space<semaphore_mem>>
      %dma_start3A = arith.constant 0 : i32
      %dma_start3A_35 = tpu.memref_slice %arg9[%mul3A_6, %dma_start3A] : memref<10000x16xf32, #tpu.memory_space<vmem_shared>> -> memref<625x16xf32, #tpu.memory_space<vmem_shared>>
      %dma_start3A_36 = arith.constant 0 : i32
      %dma_start3A_37 = tpu.memref_slice %arg2[%mul3A_4, %dma_start3A_36] : memref<10000x16xf32, #tpu.memory_space<hbm>> -> memref<625x16xf32, #tpu.memory_space<hbm>>
      tpu.enqueue_dma source(%dma_start3A_37 : memref<625x16xf32, #tpu.memory_space<hbm>>) target(%dma_start3A_35 : memref<625x16xf32, #tpu.memory_space<vmem_shared>>) target_semaphore(%run_scoped3A_34 : memref<!tpu.dma_semaphore, #tpu.memory_space<semaphore_mem>>)
      %dma_wait3A_38 = arith.constant 0 : i32
      %dma_wait3A_39 = tpu.memref_slice %arg9[%mul3A_6, %dma_wait3A_38] : memref<10000x16xf32, #tpu.memory_space<vmem_shared>> -> memref<625x16xf32, #tpu.memory_space<vmem_shared>>
      %dma_wait3A_40 = arith.constant 0 : i32
      %dma_wait3A_41 = tpu.memref_slice %arg2[%mul3A_4, %dma_wait3A_40] : memref<10000x16xf32, #tpu.memory_space<hbm>> -> memref<625x16xf32, #tpu.memory_space<hbm>>
      tpu.wait_dma2 semaphore(%run_scoped3A_34 : memref<!tpu.dma_semaphore, #tpu.memory_space<semaphore_mem>>) src(%dma_wait3A_41 : memref<625x16xf32, #tpu.memory_space<hbm>>) dst(%dma_wait3A_39 : memref<625x16xf32, #tpu.memory_space<vmem_shared>>)
      tpu.yield
    }) : () -> ()
    %barrier3A = arith.constant 0 : index
    tpu.barrier barrier_id(%barrier3A)
    %mul3A_7 = arith.constant 40 : i32
    %mul3A_8 = arith.muli %add3A, %mul3A_7 : i32
    %run_scoped3A = arith.constant 0 : i32
    "tpu.region"() ({
      %run_scoped3A_34 = tpu.sem_alloc : memref<!tpu.dma_semaphore, #tpu.memory_space<semaphore_mem>>
      %dma_start3A = arith.constant 0 : i32
      %dma_start3A_35 = tpu.memref_slice %arg3[%run_scoped3A, %mul3A_8, %dma_start3A] : memref<2x1280x128xi32, #tpu.memory_space<hbm>> -> memref<1x40x128xi32, #tpu.memory_space<hbm>>
      %dma_start3A_36 = tpu.memref_squeeze %dma_start3A_35 : memref<1x40x128xi32, #tpu.memory_space<hbm>> -> memref<40x128xi32, #tpu.memory_space<hbm>>
      %dma_start3A_37 = arith.constant 0 : i32
      %dma_start3A_38 = tpu.memref_slice %arg3[%run_scoped3A, %mul3A_8, %dma_start3A_37] : memref<2x1280x128xi32, #tpu.memory_space<hbm>> -> memref<1x40x128xi32, #tpu.memory_space<hbm>>
      %dma_start3A_39 = tpu.memref_squeeze %dma_start3A_38 : memref<1x40x128xi32, #tpu.memory_space<hbm>> -> memref<40x128xi32, #tpu.memory_space<hbm>>
      tpu.enqueue_dma source(%dma_start3A_39 : memref<40x128xi32, #tpu.memory_space<hbm>>) target(%arg6 : memref<40x128xi32, #tpu.memory_space<vmem>>) target_semaphore(%run_scoped3A_34 : memref<!tpu.dma_semaphore, #tpu.memory_space<semaphore_mem>>)
      %dma_wait3A_40 = arith.constant 0 : i32
      %dma_wait3A_41 = tpu.memref_slice %arg3[%run_scoped3A, %mul3A_8, %dma_wait3A_40] : memref<2x1280x128xi32, #tpu.memory_space<hbm>> -> memref<1x40x128xi32, #tpu.memory_space<hbm>>
      %dma_wait3A_42 = tpu.memref_squeeze %dma_wait3A_41 : memref<1x40x128xi32, #tpu.memory_space<hbm>> -> memref<40x128xi32, #tpu.memory_space<hbm>>
      %dma_wait3A_43 = arith.constant 0 : i32
      %dma_wait3A_44 = tpu.memref_slice %arg3[%run_scoped3A, %mul3A_8, %dma_wait3A_43] : memref<2x1280x128xi32, #tpu.memory_space<hbm>> -> memref<1x40x128xi32, #tpu.memory_space<hbm>>
      %dma_wait3A_45 = tpu.memref_squeeze %dma_wait3A_44 : memref<1x40x128xi32, #tpu.memory_space<hbm>> -> memref<40x128xi32, #tpu.memory_space<hbm>>
      tpu.wait_dma2 semaphore(%run_scoped3A_34 : memref<!tpu.dma_semaphore, #tpu.memory_space<semaphore_mem>>) src(%dma_wait3A_45 : memref<40x128xi32, #tpu.memory_space<hbm>>) dst(%arg6 : memref<40x128xi32, #tpu.memory_space<vmem>>)
      tpu.yield
    }) : () -> ()
    %scan3A = arith.constant 0 : i32
    %scan3A_9 = arith.constant 0 : i32
    %scan3A_10 = arith.constant 40 : i32
    %scan3A_11 = arith.addi %scan3A_9, %scan3A_10 : i32
    %scan3A_12 = arith.constant 1 : i32
    scf.for %scan3A_34 = %scan3A_9 to %scan3A_11 step %scan3A_12  : i32 {
      %mul3A_35 = arith.constant 128 : i32
      %mul3A_36 = arith.muli %scan3A_34, %mul3A_35 : i32
      %dma_start3A = arith.constant 0 : i32
      %dma_start3A_37 = tpu.memref_slice %arg7[%mul3A_36, %dma_start3A] : memref<5120x16xf32, #tpu.memory_space<vmem>> -> memref<128x16xf32, #tpu.memory_space<vmem>>
      %dma_start3A_38 = arith.constant 0 : i32
      %dma_start3A_39 = tpu.memref_slice %arg6[%scan3A_34, %dma_start3A_38] : memref<40x128xi32, #tpu.memory_space<vmem>> -> memref<1x128xi32, #tpu.memory_space<vmem>>
      %dma_start3A_40 = tpu.memref_squeeze %dma_start3A_39 : memref<1x128xi32, #tpu.memory_space<vmem>> -> memref<128xi32, #tpu.memory_space<vmem>>
      %dma_start3A_41 = arith.constant 0 : i32
      %dma_start3A_42 = arith.constant 0 : i32
      %dma_start3A_43 = tpu.memref_slice %arg9[%dma_start3A_41, %dma_start3A_42] : memref<10000x16xf32, #tpu.memory_space<vmem_shared>> -> memref<10000x16xf32, #tpu.memory_space<vmem_shared>>
      tpu.enqueue_indirect_dma source(%dma_start3A_43 : memref<10000x16xf32, #tpu.memory_space<vmem_shared>>) target(%dma_start3A_37 : memref<128x16xf32, #tpu.memory_space<vmem>>) offsets(%dma_start3A_40 : memref<128xi32, #tpu.memory_space<vmem>>) semaphore(%arg8 : memref<!tpu.dma_semaphore, #tpu.memory_space<semaphore_mem>>)
    }
    %scan3A_13 = arith.constant 40 : i32
    %dma_wait3A = arith.constant 0 : i32
    %dma_wait3A_14 = arith.constant 0 : i32
    %dma_wait3A_15 = tpu.memref_slice %arg2[%dma_wait3A, %dma_wait3A_14] : memref<10000x16xf32, #tpu.memory_space<hbm>> -> memref<5120x16xf32, #tpu.memory_space<hbm>>
    %dma_wait3A_16 = arith.constant 0 : i32
    %dma_wait3A_17 = arith.constant 0 : i32
    %dma_wait3A_18 = tpu.memref_slice %arg2[%dma_wait3A_16, %dma_wait3A_17] : memref<10000x16xf32, #tpu.memory_space<hbm>> -> memref<5120x16xf32, #tpu.memory_space<hbm>>
    tpu.wait_dma2 semaphore(%arg8 : memref<!tpu.dma_semaphore, #tpu.memory_space<semaphore_mem>>) src(%dma_wait3A_18 : memref<5120x16xf32, #tpu.memory_space<hbm>>) dst(%arg7 : memref<5120x16xf32, #tpu.memory_space<vmem>>)
    "tpu.region"() ({
      %run_scoped3A_34 = tpu.sem_alloc : memref<!tpu.dma_semaphore, #tpu.memory_space<semaphore_mem>>
      %dma_start3A = arith.constant 0 : i32
      %dma_start3A_35 = tpu.memref_slice %arg4[%mul3A_2, %dma_start3A] : memref<163840x16xf32, #tpu.memory_space<hbm>> -> memref<5120x16xf32, #tpu.memory_space<hbm>>
      %dma_start3A_36 = arith.constant 0 : i32
      %dma_start3A_37 = tpu.memref_slice %arg4[%mul3A_2, %dma_start3A_36] : memref<163840x16xf32, #tpu.memory_space<hbm>> -> memref<5120x16xf32, #tpu.memory_space<hbm>>
      tpu.enqueue_dma source(%arg7 : memref<5120x16xf32, #tpu.memory_space<vmem>>) target(%dma_start3A_37 : memref<5120x16xf32, #tpu.memory_space<hbm>>) target_semaphore(%run_scoped3A_34 : memref<!tpu.dma_semaphore, #tpu.memory_space<semaphore_mem>>)
      %dma_wait3A_38 = arith.constant 0 : i32
      %dma_wait3A_39 = tpu.memref_slice %arg4[%mul3A_2, %dma_wait3A_38] : memref<163840x16xf32, #tpu.memory_space<hbm>> -> memref<5120x16xf32, #tpu.memory_space<hbm>>
      %dma_wait3A_40 = arith.constant 0 : i32
      %dma_wait3A_41 = tpu.memref_slice %arg4[%mul3A_2, %dma_wait3A_40] : memref<163840x16xf32, #tpu.memory_space<hbm>> -> memref<5120x16xf32, #tpu.memory_space<hbm>>
      tpu.wait_dma2 semaphore(%run_scoped3A_34 : memref<!tpu.dma_semaphore, #tpu.memory_space<semaphore_mem>>) src(%arg7 : memref<5120x16xf32, #tpu.memory_space<vmem>>) dst(%dma_wait3A_41 : memref<5120x16xf32, #tpu.memory_space<hbm>>)
      tpu.yield
    }) : () -> ()
    %mul3A_19 = arith.constant 40 : i32
    %mul3A_20 = arith.muli %add3A, %mul3A_19 : i32
    %run_scoped3A_21 = arith.constant 1 : i32
    "tpu.region"() ({
      %run_scoped3A_34 = tpu.sem_alloc : memref<!tpu.dma_semaphore, #tpu.memory_space<semaphore_mem>>
      %dma_start3A = arith.constant 0 : i32
      %dma_start3A_35 = tpu.memref_slice %arg3[%run_scoped3A_21, %mul3A_20, %dma_start3A] : memref<2x1280x128xi32, #tpu.memory_space<hbm>> -> memref<1x40x128xi32, #tpu.memory_space<hbm>>
      %dma_start3A_36 = tpu.memref_squeeze %dma_start3A_35 : memref<1x40x128xi32, #tpu.memory_space<hbm>> -> memref<40x128xi32, #tpu.memory_space<hbm>>
      %dma_start3A_37 = arith.constant 0 : i32
      %dma_start3A_38 = tpu.memref_slice %arg3[%run_scoped3A_21, %mul3A_20, %dma_start3A_37] : memref<2x1280x128xi32, #tpu.memory_space<hbm>> -> memref<1x40x128xi32, #tpu.memory_space<hbm>>
      %dma_start3A_39 = tpu.memref_squeeze %dma_start3A_38 : memref<1x40x128xi32, #tpu.memory_space<hbm>> -> memref<40x128xi32, #tpu.memory_space<hbm>>
      tpu.enqueue_dma source(%dma_start3A_39 : memref<40x128xi32, #tpu.memory_space<hbm>>) target(%arg6 : memref<40x128xi32, #tpu.memory_space<vmem>>) target_semaphore(%run_scoped3A_34 : memref<!tpu.dma_semaphore, #tpu.memory_space<semaphore_mem>>)
      %dma_wait3A_40 = arith.constant 0 : i32
      %dma_wait3A_41 = tpu.memref_slice %arg3[%run_scoped3A_21, %mul3A_20, %dma_wait3A_40] : memref<2x1280x128xi32, #tpu.memory_space<hbm>> -> memref<1x40x128xi32, #tpu.memory_space<hbm>>
      %dma_wait3A_42 = tpu.memref_squeeze %dma_wait3A_41 : memref<1x40x128xi32, #tpu.memory_space<hbm>> -> memref<40x128xi32, #tpu.memory_space<hbm>>
      %dma_wait3A_43 = arith.constant 0 : i32
      %dma_wait3A_44 = tpu.memref_slice %arg3[%run_scoped3A_21, %mul3A_20, %dma_wait3A_43] : memref<2x1280x128xi32, #tpu.memory_space<hbm>> -> memref<1x40x128xi32, #tpu.memory_space<hbm>>
      %dma_wait3A_45 = tpu.memref_squeeze %dma_wait3A_44 : memref<1x40x128xi32, #tpu.memory_space<hbm>> -> memref<40x128xi32, #tpu.memory_space<hbm>>
      tpu.wait_dma2 semaphore(%run_scoped3A_34 : memref<!tpu.dma_semaphore, #tpu.memory_space<semaphore_mem>>) src(%dma_wait3A_45 : memref<40x128xi32, #tpu.memory_space<hbm>>) dst(%arg6 : memref<40x128xi32, #tpu.memory_space<vmem>>)
      tpu.yield
    }) : () -> ()
    %scan3A_22 = arith.constant 0 : i32
    %scan3A_23 = arith.constant 0 : i32
    %scan3A_24 = arith.constant 40 : i32
    %scan3A_25 = arith.addi %scan3A_23, %scan3A_24 : i32
    %scan3A_26 = arith.constant 1 : i32
    scf.for %scan3A_34 = %scan3A_23 to %scan3A_25 step %scan3A_26  : i32 {
      %mul3A_35 = arith.constant 128 : i32
      %mul3A_36 = arith.muli %scan3A_34, %mul3A_35 : i32
      %dma_start3A = arith.constant 0 : i32
      %dma_start3A_37 = tpu.memref_slice %arg7[%mul3A_36, %dma_start3A] : memref<5120x16xf32, #tpu.memory_space<vmem>> -> memref<128x16xf32, #tpu.memory_space<vmem>>
      %dma_start3A_38 = arith.constant 0 : i32
      %dma_start3A_39 = tpu.memref_slice %arg6[%scan3A_34, %dma_start3A_38] : memref<40x128xi32, #tpu.memory_space<vmem>> -> memref<1x128xi32, #tpu.memory_space<vmem>>
      %dma_start3A_40 = tpu.memref_squeeze %dma_start3A_39 : memref<1x128xi32, #tpu.memory_space<vmem>> -> memref<128xi32, #tpu.memory_space<vmem>>
      %dma_start3A_41 = arith.constant 0 : i32
      %dma_start3A_42 = arith.constant 0 : i32
      %dma_start3A_43 = tpu.memref_slice %arg9[%dma_start3A_41, %dma_start3A_42] : memref<10000x16xf32, #tpu.memory_space<vmem_shared>> -> memref<10000x16xf32, #tpu.memory_space<vmem_shared>>
      tpu.enqueue_indirect_dma source(%dma_start3A_43 : memref<10000x16xf32, #tpu.memory_space<vmem_shared>>) target(%dma_start3A_37 : memref<128x16xf32, #tpu.memory_space<vmem>>) offsets(%dma_start3A_40 : memref<128xi32, #tpu.memory_space<vmem>>) semaphore(%arg8 : memref<!tpu.dma_semaphore, #tpu.memory_space<semaphore_mem>>)
    }
    %scan3A_27 = arith.constant 40 : i32
    %dma_wait3A_28 = arith.constant 0 : i32
    %dma_wait3A_29 = arith.constant 0 : i32
    %dma_wait3A_30 = tpu.memref_slice %arg2[%dma_wait3A_28, %dma_wait3A_29] : memref<10000x16xf32, #tpu.memory_space<hbm>> -> memref<5120x16xf32, #tpu.memory_space<hbm>>
    %dma_wait3A_31 = arith.constant 0 : i32
    %dma_wait3A_32 = arith.constant 0 : i32
    %dma_wait3A_33 = tpu.memref_slice %arg2[%dma_wait3A_31, %dma_wait3A_32] : memref<10000x16xf32, #tpu.memory_space<hbm>> -> memref<5120x16xf32, #tpu.memory_space<hbm>>
    tpu.wait_dma2 semaphore(%arg8 : memref<!tpu.dma_semaphore, #tpu.memory_space<semaphore_mem>>) src(%dma_wait3A_33 : memref<5120x16xf32, #tpu.memory_space<hbm>>) dst(%arg7 : memref<5120x16xf32, #tpu.memory_space<vmem>>)
    "tpu.region"() ({
      %run_scoped3A_34 = tpu.sem_alloc : memref<!tpu.dma_semaphore, #tpu.memory_space<semaphore_mem>>
      %dma_start3A = arith.constant 0 : i32
      %dma_start3A_35 = tpu.memref_slice %arg5[%mul3A_2, %dma_start3A] : memref<163840x16xf32, #tpu.memory_space<hbm>> -> memref<5120x16xf32, #tpu.memory_space<hbm>>
      %dma_start3A_36 = arith.constant 0 : i32
      %dma_start3A_37 = tpu.memref_slice %arg5[%mul3A_2, %dma_start3A_36] : memref<163840x16xf32, #tpu.memory_space<hbm>> -> memref<5120x16xf32, #tpu.memory_space<hbm>>
      tpu.enqueue_dma source(%arg7 : memref<5120x16xf32, #tpu.memory_space<vmem>>) target(%dma_start3A_37 : memref<5120x16xf32, #tpu.memory_space<hbm>>) target_semaphore(%run_scoped3A_34 : memref<!tpu.dma_semaphore, #tpu.memory_space<semaphore_mem>>)
      %dma_wait3A_38 = arith.constant 0 : i32
      %dma_wait3A_39 = tpu.memref_slice %arg5[%mul3A_2, %dma_wait3A_38] : memref<163840x16xf32, #tpu.memory_space<hbm>> -> memref<5120x16xf32, #tpu.memory_space<hbm>>
      %dma_wait3A_40 = arith.constant 0 : i32
      %dma_wait3A_41 = tpu.memref_slice %arg5[%mul3A_2, %dma_wait3A_40] : memref<163840x16xf32, #tpu.memory_space<hbm>> -> memref<5120x16xf32, #tpu.memory_space<hbm>>
      tpu.wait_dma2 semaphore(%run_scoped3A_34 : memref<!tpu.dma_semaphore, #tpu.memory_space<semaphore_mem>>) src(%arg7 : memref<5120x16xf32, #tpu.memory_space<vmem>>) dst(%dma_wait3A_41 : memref<5120x16xf32, #tpu.memory_space<hbm>>)
      tpu.yield
    }) : () -> ()
    return
  }
}

module attributes {stable_mosaic.version = 14 : i64} {
  func.func @_mlp_body(%arg0: i32, %arg1: memref<4096x128xf32, #tpu.memory_space<vmem>>, %arg2: memref<4096x128xf32, #tpu.memory_space<vmem>>, %arg3: memref<128x64xf32, #tpu.memory_space<vmem>>, %arg4: memref<128x64xf32, #tpu.memory_space<vmem>>, %arg5: memref<1x64xf32, #tpu.memory_space<vmem>>, %arg6: memref<8x128x128xf32, #tpu.memory_space<vmem>>, %arg7: memref<8x64x128xf32, #tpu.memory_space<vmem>>, %arg8: memref<128x128xf32, #tpu.memory_space<vmem>>, %arg9: memref<4096x128xf32, #tpu.memory_space<vmem>>) attributes {dimension_semantics = [#tpu.dimension_semantics<arbitrary>], iteration_bounds = array<i64: 5>, scalar_prefetch = 0 : i64, scratch_operands = 0 : i64, tpu.core_type = #tpu.core_type<tc>, window_params = [{transform_indices = @transform_0, window_bounds = array<i64: 4096, 128>}, {transform_indices = @transform_1, window_bounds = array<i64: 4096, 128>}, {pipeline_mode = #tpu.pipeline_mode<synchronous>, transform_indices = @transform_2, window_bounds = array<i64: 128, 64>}, {pipeline_mode = #tpu.pipeline_mode<synchronous>, transform_indices = @transform_3, window_bounds = array<i64: 128, 64>}, {pipeline_mode = #tpu.pipeline_mode<synchronous>, transform_indices = @transform_4, window_bounds = array<i64: 1, 64>}, {pipeline_mode = #tpu.pipeline_mode<synchronous>, transform_indices = @transform_5, window_bounds = array<i64: 8, 128, 128>}, {pipeline_mode = #tpu.pipeline_mode<synchronous>, transform_indices = @transform_6, window_bounds = array<i64: 8, 64, 128>}, {pipeline_mode = #tpu.pipeline_mode<synchronous>, transform_indices = @transform_7, window_bounds = array<i64: 128, 128>}, {transform_indices = @transform_8, window_bounds = array<i64: 4096, 128>}]} {
    %get3A = arith.constant 0 : index
    %get3A_0 = arith.constant 0 : index
    %get3A_1 = vector.load %arg1[%get3A, %get3A_0] : memref<4096x128xf32, #tpu.memory_space<vmem>>, vector<4096x128xf32>
    %get3A_2 = arith.constant 0 : index
    %get3A_3 = arith.constant 0 : index
    %get3A_4 = vector.load %arg2[%get3A_2, %get3A_3] : memref<4096x128xf32, #tpu.memory_space<vmem>>, vector<4096x128xf32>
    %get3A_5 = arith.constant 0 : index
    %get3A_6 = arith.constant 0 : index
    %get3A_7 = vector.load %arg3[%get3A_5, %get3A_6] : memref<128x64xf32, #tpu.memory_space<vmem>>, vector<128x64xf32>
    %dot_general3A = arith.constant dense<0.000000e+00> : vector<4096x64xf32>
    %dot_general3A_8 = tpu.matmul %get3A_1, %get3A_7, %dot_general3A {dimension_numbers = #tpu.dot_dimension_numbers<[1], [0], [0], [1], [0, 0, 1, 1], [], []>, transpose_lhs_hint = false} : vector<4096x128xf32>, vector<128x64xf32>, vector<4096x64xf32> -> vector<4096x64xf32>
    %get3A_9 = arith.constant 0 : index
    %get3A_10 = arith.constant 0 : index
    %get3A_11 = vector.load %arg4[%get3A_9, %get3A_10] : memref<128x64xf32, #tpu.memory_space<vmem>>, vector<128x64xf32>
    %dot_general3A_12 = arith.constant dense<0.000000e+00> : vector<4096x64xf32>
    %dot_general3A_13 = tpu.matmul %get3A_4, %get3A_11, %dot_general3A_12 {dimension_numbers = #tpu.dot_dimension_numbers<[1], [0], [0], [1], [0, 0, 1, 1], [], []>, transpose_lhs_hint = false} : vector<4096x128xf32>, vector<128x64xf32>, vector<4096x64xf32> -> vector<4096x64xf32>
    %add3A = arith.addf %dot_general3A_8, %dot_general3A_13 : vector<4096x64xf32>
    %get3A_14 = arith.constant 0 : index
    %get3A_15 = arith.constant 0 : index
    %get3A_16 = vector.load %arg5[%get3A_14, %get3A_15] : memref<1x64xf32, #tpu.memory_space<vmem>>, vector<1x64xf32>
    %add3A_17 = vector.broadcast %get3A_16 : vector<1x64xf32> to vector<4096x64xf32>
    %add3A_18 = arith.addf %add3A, %add3A_17 : vector<4096x64xf32>
    %mul3A = arith.constant 5.000000e-01 : f32
    %mul3A_19 = vector.broadcast %mul3A : f32 to vector<4096x64xf32>
    %mul3A_20 = arith.mulf %mul3A_19, %add3A_18 : vector<4096x64xf32>
    %mul3A_21 = arith.constant 0.707106769 : f32
    %mul3A_22 = vector.broadcast %mul3A_21 : f32 to vector<4096x64xf32>
    %mul3A_23 = arith.mulf %add3A_18, %mul3A_22 : vector<4096x64xf32>
    %erf3A = math.erf %mul3A_23 : vector<4096x64xf32>
    %add3A_24 = arith.constant 1.000000e+00 : f32
    %add3A_25 = vector.broadcast %add3A_24 : f32 to vector<4096x64xf32>
    %add3A_26 = arith.addf %add3A_25, %erf3A : vector<4096x64xf32>
    %mul3A_27 = arith.mulf %mul3A_20, %add3A_26 : vector<4096x64xf32>
    %get3A_28 = arith.constant 0 : index
    %get3A_29 = arith.constant 0 : index
    %get3A_30 = vector.load %arg8[%get3A_28, %get3A_29] : memref<128x128xf32, #tpu.memory_space<vmem>>, vector<128x128xf32>
    %dot_general3A_31 = arith.constant dense<0.000000e+00> : vector<4096x128xf32>
    %dot_general3A_32 = tpu.matmul %get3A_1, %get3A_30, %dot_general3A_31 {dimension_numbers = #tpu.dot_dimension_numbers<[1], [0], [0], [1], [0, 0, 1, 1], [], []>, transpose_lhs_hint = false} : vector<4096x128xf32>, vector<128x128xf32>, vector<4096x128xf32> -> vector<4096x128xf32>
    %get3A_33 = arith.constant 0 : index
    %get3A_34 = arith.constant 0 : index
    %get3A_35 = arith.constant 0 : index
    %get3A_36 = vector.load %arg7[%get3A_33, %get3A_34, %get3A_35] : memref<8x64x128xf32, #tpu.memory_space<vmem>>, vector<1x64x128xf32>
    %get3A_37 = vector.shape_cast %get3A_36 : vector<1x64x128xf32> to vector<64x128xf32>
    %dot_general3A_38 = arith.constant dense<0.000000e+00> : vector<4096x128xf32>
    %dot_general3A_39 = tpu.matmul %mul3A_27, %get3A_37, %dot_general3A_38 {dimension_numbers = #tpu.dot_dimension_numbers<[1], [0], [0], [1], [0, 0, 1, 1], [], []>, transpose_lhs_hint = false} : vector<4096x64xf32>, vector<64x128xf32>, vector<4096x128xf32> -> vector<4096x128xf32>
    %get3A_40 = arith.constant 0 : index
    %get3A_41 = arith.constant 0 : index
    %get3A_42 = arith.constant 0 : index
    %get3A_43 = vector.load %arg6[%get3A_40, %get3A_41, %get3A_42] : memref<8x128x128xf32, #tpu.memory_space<vmem>>, vector<1x128x128xf32>
    %get3A_44 = vector.shape_cast %get3A_43 : vector<1x128x128xf32> to vector<128x128xf32>
    %dot_general3A_45 = arith.constant dense<0.000000e+00> : vector<4096x128xf32>
    %dot_general3A_46 = tpu.matmul %get3A_1, %get3A_44, %dot_general3A_45 {dimension_numbers = #tpu.dot_dimension_numbers<[1], [0], [0], [1], [0, 0, 1, 1], [], []>, transpose_lhs_hint = false} : vector<4096x128xf32>, vector<128x128xf32>, vector<4096x128xf32> -> vector<4096x128xf32>
    %mul3A_47 = arith.mulf %dot_general3A_39, %dot_general3A_46 : vector<4096x128xf32>
    %add3A_48 = arith.addf %dot_general3A_32, %mul3A_47 : vector<4096x128xf32>
    %get3A_49 = arith.constant 1 : index
    %get3A_50 = arith.constant 0 : index
    %get3A_51 = arith.constant 0 : index
    %get3A_52 = vector.load %arg7[%get3A_49, %get3A_50, %get3A_51] : memref<8x64x128xf32, #tpu.memory_space<vmem>>, vector<1x64x128xf32>
    %get3A_53 = vector.shape_cast %get3A_52 : vector<1x64x128xf32> to vector<64x128xf32>
    %dot_general3A_54 = arith.constant dense<0.000000e+00> : vector<4096x128xf32>
    %dot_general3A_55 = tpu.matmul %mul3A_27, %get3A_53, %dot_general3A_54 {dimension_numbers = #tpu.dot_dimension_numbers<[1], [0], [0], [1], [0, 0, 1, 1], [], []>, transpose_lhs_hint = false} : vector<4096x64xf32>, vector<64x128xf32>, vector<4096x128xf32> -> vector<4096x128xf32>
    %get3A_56 = arith.constant 1 : index
    %get3A_57 = arith.constant 0 : index
    %get3A_58 = arith.constant 0 : index
    %get3A_59 = vector.load %arg6[%get3A_56, %get3A_57, %get3A_58] : memref<8x128x128xf32, #tpu.memory_space<vmem>>, vector<1x128x128xf32>
    %get3A_60 = vector.shape_cast %get3A_59 : vector<1x128x128xf32> to vector<128x128xf32>
    %dot_general3A_61 = arith.constant dense<0.000000e+00> : vector<4096x128xf32>
    %dot_general3A_62 = tpu.matmul %get3A_1, %get3A_60, %dot_general3A_61 {dimension_numbers = #tpu.dot_dimension_numbers<[1], [0], [0], [1], [0, 0, 1, 1], [], []>, transpose_lhs_hint = false} : vector<4096x128xf32>, vector<128x128xf32>, vector<4096x128xf32> -> vector<4096x128xf32>
    %mul3A_63 = arith.mulf %dot_general3A_55, %dot_general3A_62 : vector<4096x128xf32>
    %add3A_64 = arith.addf %add3A_48, %mul3A_63 : vector<4096x128xf32>
    %get3A_65 = arith.constant 2 : index
    %get3A_66 = arith.constant 0 : index
    %get3A_67 = arith.constant 0 : index
    %get3A_68 = vector.load %arg7[%get3A_65, %get3A_66, %get3A_67] : memref<8x64x128xf32, #tpu.memory_space<vmem>>, vector<1x64x128xf32>
    %get3A_69 = vector.shape_cast %get3A_68 : vector<1x64x128xf32> to vector<64x128xf32>
    %dot_general3A_70 = arith.constant dense<0.000000e+00> : vector<4096x128xf32>
    %dot_general3A_71 = tpu.matmul %mul3A_27, %get3A_69, %dot_general3A_70 {dimension_numbers = #tpu.dot_dimension_numbers<[1], [0], [0], [1], [0, 0, 1, 1], [], []>, transpose_lhs_hint = false} : vector<4096x64xf32>, vector<64x128xf32>, vector<4096x128xf32> -> vector<4096x128xf32>
    %get3A_72 = arith.constant 2 : index
    %get3A_73 = arith.constant 0 : index
    %get3A_74 = arith.constant 0 : index
    %get3A_75 = vector.load %arg6[%get3A_72, %get3A_73, %get3A_74] : memref<8x128x128xf32, #tpu.memory_space<vmem>>, vector<1x128x128xf32>
    %get3A_76 = vector.shape_cast %get3A_75 : vector<1x128x128xf32> to vector<128x128xf32>
    %dot_general3A_77 = arith.constant dense<0.000000e+00> : vector<4096x128xf32>
    %dot_general3A_78 = tpu.matmul %get3A_1, %get3A_76, %dot_general3A_77 {dimension_numbers = #tpu.dot_dimension_numbers<[1], [0], [0], [1], [0, 0, 1, 1], [], []>, transpose_lhs_hint = false} : vector<4096x128xf32>, vector<128x128xf32>, vector<4096x128xf32> -> vector<4096x128xf32>
    %mul3A_79 = arith.mulf %dot_general3A_71, %dot_general3A_78 : vector<4096x128xf32>
    %add3A_80 = arith.addf %add3A_64, %mul3A_79 : vector<4096x128xf32>
    %get3A_81 = arith.constant 3 : index
    %get3A_82 = arith.constant 0 : index
    %get3A_83 = arith.constant 0 : index
    %get3A_84 = vector.load %arg7[%get3A_81, %get3A_82, %get3A_83] : memref<8x64x128xf32, #tpu.memory_space<vmem>>, vector<1x64x128xf32>
    %get3A_85 = vector.shape_cast %get3A_84 : vector<1x64x128xf32> to vector<64x128xf32>
    %dot_general3A_86 = arith.constant dense<0.000000e+00> : vector<4096x128xf32>
    %dot_general3A_87 = tpu.matmul %mul3A_27, %get3A_85, %dot_general3A_86 {dimension_numbers = #tpu.dot_dimension_numbers<[1], [0], [0], [1], [0, 0, 1, 1], [], []>, transpose_lhs_hint = false} : vector<4096x64xf32>, vector<64x128xf32>, vector<4096x128xf32> -> vector<4096x128xf32>
    %get3A_88 = arith.constant 3 : index
    %get3A_89 = arith.constant 0 : index
    %get3A_90 = arith.constant 0 : index
    %get3A_91 = vector.load %arg6[%get3A_88, %get3A_89, %get3A_90] : memref<8x128x128xf32, #tpu.memory_space<vmem>>, vector<1x128x128xf32>
    %get3A_92 = vector.shape_cast %get3A_91 : vector<1x128x128xf32> to vector<128x128xf32>
    %dot_general3A_93 = arith.constant dense<0.000000e+00> : vector<4096x128xf32>
    %dot_general3A_94 = tpu.matmul %get3A_1, %get3A_92, %dot_general3A_93 {dimension_numbers = #tpu.dot_dimension_numbers<[1], [0], [0], [1], [0, 0, 1, 1], [], []>, transpose_lhs_hint = false} : vector<4096x128xf32>, vector<128x128xf32>, vector<4096x128xf32> -> vector<4096x128xf32>
    %mul3A_95 = arith.mulf %dot_general3A_87, %dot_general3A_94 : vector<4096x128xf32>
    %add3A_96 = arith.addf %add3A_80, %mul3A_95 : vector<4096x128xf32>
    %get3A_97 = arith.constant 4 : index
    %get3A_98 = arith.constant 0 : index
    %get3A_99 = arith.constant 0 : index
    %get3A_100 = vector.load %arg7[%get3A_97, %get3A_98, %get3A_99] : memref<8x64x128xf32, #tpu.memory_space<vmem>>, vector<1x64x128xf32>
    %get3A_101 = vector.shape_cast %get3A_100 : vector<1x64x128xf32> to vector<64x128xf32>
    %dot_general3A_102 = arith.constant dense<0.000000e+00> : vector<4096x128xf32>
    %dot_general3A_103 = tpu.matmul %mul3A_27, %get3A_101, %dot_general3A_102 {dimension_numbers = #tpu.dot_dimension_numbers<[1], [0], [0], [1], [0, 0, 1, 1], [], []>, transpose_lhs_hint = false} : vector<4096x64xf32>, vector<64x128xf32>, vector<4096x128xf32> -> vector<4096x128xf32>
    %get3A_104 = arith.constant 4 : index
    %get3A_105 = arith.constant 0 : index
    %get3A_106 = arith.constant 0 : index
    %get3A_107 = vector.load %arg6[%get3A_104, %get3A_105, %get3A_106] : memref<8x128x128xf32, #tpu.memory_space<vmem>>, vector<1x128x128xf32>
    %get3A_108 = vector.shape_cast %get3A_107 : vector<1x128x128xf32> to vector<128x128xf32>
    %dot_general3A_109 = arith.constant dense<0.000000e+00> : vector<4096x128xf32>
    %dot_general3A_110 = tpu.matmul %get3A_1, %get3A_108, %dot_general3A_109 {dimension_numbers = #tpu.dot_dimension_numbers<[1], [0], [0], [1], [0, 0, 1, 1], [], []>, transpose_lhs_hint = false} : vector<4096x128xf32>, vector<128x128xf32>, vector<4096x128xf32> -> vector<4096x128xf32>
    %mul3A_111 = arith.mulf %dot_general3A_103, %dot_general3A_110 : vector<4096x128xf32>
    %add3A_112 = arith.addf %add3A_96, %mul3A_111 : vector<4096x128xf32>
    %get3A_113 = arith.constant 5 : index
    %get3A_114 = arith.constant 0 : index
    %get3A_115 = arith.constant 0 : index
    %get3A_116 = vector.load %arg7[%get3A_113, %get3A_114, %get3A_115] : memref<8x64x128xf32, #tpu.memory_space<vmem>>, vector<1x64x128xf32>
    %get3A_117 = vector.shape_cast %get3A_116 : vector<1x64x128xf32> to vector<64x128xf32>
    %dot_general3A_118 = arith.constant dense<0.000000e+00> : vector<4096x128xf32>
    %dot_general3A_119 = tpu.matmul %mul3A_27, %get3A_117, %dot_general3A_118 {dimension_numbers = #tpu.dot_dimension_numbers<[1], [0], [0], [1], [0, 0, 1, 1], [], []>, transpose_lhs_hint = false} : vector<4096x64xf32>, vector<64x128xf32>, vector<4096x128xf32> -> vector<4096x128xf32>
    %get3A_120 = arith.constant 5 : index
    %get3A_121 = arith.constant 0 : index
    %get3A_122 = arith.constant 0 : index
    %get3A_123 = vector.load %arg6[%get3A_120, %get3A_121, %get3A_122] : memref<8x128x128xf32, #tpu.memory_space<vmem>>, vector<1x128x128xf32>
    %get3A_124 = vector.shape_cast %get3A_123 : vector<1x128x128xf32> to vector<128x128xf32>
    %dot_general3A_125 = arith.constant dense<0.000000e+00> : vector<4096x128xf32>
    %dot_general3A_126 = tpu.matmul %get3A_1, %get3A_124, %dot_general3A_125 {dimension_numbers = #tpu.dot_dimension_numbers<[1], [0], [0], [1], [0, 0, 1, 1], [], []>, transpose_lhs_hint = false} : vector<4096x128xf32>, vector<128x128xf32>, vector<4096x128xf32> -> vector<4096x128xf32>
    %mul3A_127 = arith.mulf %dot_general3A_119, %dot_general3A_126 : vector<4096x128xf32>
    %add3A_128 = arith.addf %add3A_112, %mul3A_127 : vector<4096x128xf32>
    %get3A_129 = arith.constant 6 : index
    %get3A_130 = arith.constant 0 : index
    %get3A_131 = arith.constant 0 : index
    %get3A_132 = vector.load %arg7[%get3A_129, %get3A_130, %get3A_131] : memref<8x64x128xf32, #tpu.memory_space<vmem>>, vector<1x64x128xf32>
    %get3A_133 = vector.shape_cast %get3A_132 : vector<1x64x128xf32> to vector<64x128xf32>
    %dot_general3A_134 = arith.constant dense<0.000000e+00> : vector<4096x128xf32>
    %dot_general3A_135 = tpu.matmul %mul3A_27, %get3A_133, %dot_general3A_134 {dimension_numbers = #tpu.dot_dimension_numbers<[1], [0], [0], [1], [0, 0, 1, 1], [], []>, transpose_lhs_hint = false} : vector<4096x64xf32>, vector<64x128xf32>, vector<4096x128xf32> -> vector<4096x128xf32>
    %get3A_136 = arith.constant 6 : index
    %get3A_137 = arith.constant 0 : index
    %get3A_138 = arith.constant 0 : index
    %get3A_139 = vector.load %arg6[%get3A_136, %get3A_137, %get3A_138] : memref<8x128x128xf32, #tpu.memory_space<vmem>>, vector<1x128x128xf32>
    %get3A_140 = vector.shape_cast %get3A_139 : vector<1x128x128xf32> to vector<128x128xf32>
    %dot_general3A_141 = arith.constant dense<0.000000e+00> : vector<4096x128xf32>
    %dot_general3A_142 = tpu.matmul %get3A_1, %get3A_140, %dot_general3A_141 {dimension_numbers = #tpu.dot_dimension_numbers<[1], [0], [0], [1], [0, 0, 1, 1], [], []>, transpose_lhs_hint = false} : vector<4096x128xf32>, vector<128x128xf32>, vector<4096x128xf32> -> vector<4096x128xf32>
    %mul3A_143 = arith.mulf %dot_general3A_135, %dot_general3A_142 : vector<4096x128xf32>
    %add3A_144 = arith.addf %add3A_128, %mul3A_143 : vector<4096x128xf32>
    %get3A_145 = arith.constant 7 : index
    %get3A_146 = arith.constant 0 : index
    %get3A_147 = arith.constant 0 : index
    %get3A_148 = vector.load %arg7[%get3A_145, %get3A_146, %get3A_147] : memref<8x64x128xf32, #tpu.memory_space<vmem>>, vector<1x64x128xf32>
    %get3A_149 = vector.shape_cast %get3A_148 : vector<1x64x128xf32> to vector<64x128xf32>
    %dot_general3A_150 = arith.constant dense<0.000000e+00> : vector<4096x128xf32>
    %dot_general3A_151 = tpu.matmul %mul3A_27, %get3A_149, %dot_general3A_150 {dimension_numbers = #tpu.dot_dimension_numbers<[1], [0], [0], [1], [0, 0, 1, 1], [], []>, transpose_lhs_hint = false} : vector<4096x64xf32>, vector<64x128xf32>, vector<4096x128xf32> -> vector<4096x128xf32>
    %get3A_152 = arith.constant 7 : index
    %get3A_153 = arith.constant 0 : index
    %get3A_154 = arith.constant 0 : index
    %get3A_155 = vector.load %arg6[%get3A_152, %get3A_153, %get3A_154] : memref<8x128x128xf32, #tpu.memory_space<vmem>>, vector<1x128x128xf32>
    %get3A_156 = vector.shape_cast %get3A_155 : vector<1x128x128xf32> to vector<128x128xf32>
    %dot_general3A_157 = arith.constant dense<0.000000e+00> : vector<4096x128xf32>
    %dot_general3A_158 = tpu.matmul %get3A_1, %get3A_156, %dot_general3A_157 {dimension_numbers = #tpu.dot_dimension_numbers<[1], [0], [0], [1], [0, 0, 1, 1], [], []>, transpose_lhs_hint = false} : vector<4096x128xf32>, vector<128x128xf32>, vector<4096x128xf32> -> vector<4096x128xf32>
    %mul3A_159 = arith.mulf %dot_general3A_151, %dot_general3A_158 : vector<4096x128xf32>
    %add3A_160 = arith.addf %add3A_144, %mul3A_159 : vector<4096x128xf32>
    %swap3A = arith.constant 0 : index
    %swap3A_161 = arith.constant 0 : index
    %swap3A_162 = vector.load %arg9[%swap3A, %swap3A_161] : memref<4096x128xf32, #tpu.memory_space<vmem>>, vector<4096x128xf32>
    tpu.vector_store %arg9[%swap3A, %swap3A_161], %add3A_160 {strides = array<i32>} : memref<4096x128xf32, #tpu.memory_space<vmem>>, vector<4096x128xf32>,
    return
  }
  func.func @transform_0(%arg0: i32) -> (i32, i32) {
    %c0_i32 = arith.constant 0 : i32
    %c0_i32_0 = arith.constant 0 : i32
    return %arg0, %c0_i32 : i32, i32
  }
  func.func @transform_1(%arg0: i32) -> (i32, i32) {
    %c0_i32 = arith.constant 0 : i32
    %c0_i32_0 = arith.constant 0 : i32
    return %arg0, %c0_i32 : i32, i32
  }
  func.func @transform_2(%arg0: i32) -> (i32, i32) {
    %c0_i32 = arith.constant 0 : i32
    %c0_i32_0 = arith.constant 0 : i32
    %c0_i32_1 = arith.constant 0 : i32
    return %c0_i32, %c0_i32_0 : i32, i32
  }
  func.func @transform_3(%arg0: i32) -> (i32, i32) {
    %c0_i32 = arith.constant 0 : i32
    %c0_i32_0 = arith.constant 0 : i32
    %c0_i32_1 = arith.constant 0 : i32
    return %c0_i32, %c0_i32_0 : i32, i32
  }
  func.func @transform_4(%arg0: i32) -> (i32, i32) {
    %c0_i32 = arith.constant 0 : i32
    %c0_i32_0 = arith.constant 0 : i32
    %c0_i32_1 = arith.constant 0 : i32
    return %c0_i32, %c0_i32_0 : i32, i32
  }
  func.func @transform_5(%arg0: i32) -> (i32, i32, i32) {
    %c0_i32 = arith.constant 0 : i32
    %c0_i32_0 = arith.constant 0 : i32
    %c0_i32_1 = arith.constant 0 : i32
    %c0_i32_2 = arith.constant 0 : i32
    return %c0_i32, %c0_i32_0, %c0_i32_1 : i32, i32, i32
  }
  func.func @transform_6(%arg0: i32) -> (i32, i32, i32) {
    %c0_i32 = arith.constant 0 : i32
    %c0_i32_0 = arith.constant 0 : i32
    %c0_i32_1 = arith.constant 0 : i32
    %c0_i32_2 = arith.constant 0 : i32
    return %c0_i32, %c0_i32_0, %c0_i32_1 : i32, i32, i32
  }
  func.func @transform_7(%arg0: i32) -> (i32, i32) {
    %c0_i32 = arith.constant 0 : i32
    %c0_i32_0 = arith.constant 0 : i32
    %c0_i32_1 = arith.constant 0 : i32
    return %c0_i32, %c0_i32_0 : i32, i32
  }
  func.func @transform_8(%arg0: i32) -> (i32, i32) {
    %c0_i32 = arith.constant 0 : i32
    %c0_i32_0 = arith.constant 0 : i32
    return %arg0, %c0_i32 : i32, i32
  }
}

module attributes {stable_mosaic.version = 14 : i64} {
  func.func @_combine_body(%arg0: memref<2504x128xf32, #tpu.memory_space<vmem>>, %arg1: memref<2504x128xf32, #tpu.memory_space<vmem>>, %arg2: memref<2504x128xf32, #tpu.memory_space<vmem>>, %arg3: memref<128x128xf32, #tpu.memory_space<vmem>>, %arg4: memref<2504x128xf32, #tpu.memory_space<vmem>>) attributes {dimension_semantics = [], scalar_prefetch = 0 : i64, scratch_operands = 0 : i64, tpu.core_type = #tpu.core_type<tc>} {
    %get3A = arith.constant 0 : index
    %get3A_0 = arith.constant 0 : index
    %get3A_1 = vector.load %arg0[%get3A, %get3A_0] : memref<2504x128xf32, #tpu.memory_space<vmem>>, vector<1252x128xf32>
    %get3A_2 = arith.constant 1252 : index
    %get3A_3 = arith.constant 0 : index
    %get3A_4 = vector.load %arg0[%get3A_2, %get3A_3] : memref<2504x128xf32, #tpu.memory_space<vmem>>, vector<1252x128xf32>
    %add3A = arith.addf %get3A_1, %get3A_4 : vector<1252x128xf32>
    %get3A_5 = arith.constant 0 : index
    %get3A_6 = arith.constant 0 : index
    %get3A_7 = vector.load %arg1[%get3A_5, %get3A_6] : memref<2504x128xf32, #tpu.memory_space<vmem>>, vector<1252x128xf32>
    %get3A_8 = arith.constant 1252 : index
    %get3A_9 = arith.constant 0 : index
    %get3A_10 = vector.load %arg1[%get3A_8, %get3A_9] : memref<2504x128xf32, #tpu.memory_space<vmem>>, vector<1252x128xf32>
    %add3A_11 = arith.addf %get3A_7, %get3A_10 : vector<1252x128xf32>
    %max3A = arith.constant 1.000000e+00 : f32
    %max3A_12 = vector.broadcast %max3A : f32 to vector<1252x128xf32>
    %max3A_13 = arith.maximumf %add3A_11, %max3A_12 : vector<1252x128xf32>
    %div3A = arith.divf %add3A, %max3A_13 : vector<1252x128xf32>
    %get3A_14 = arith.constant 0 : index
    %get3A_15 = arith.constant 0 : index
    %get3A_16 = vector.load %arg3[%get3A_14, %get3A_15] : memref<128x128xf32, #tpu.memory_space<vmem>>, vector<128x128xf32>
    %get3A_17 = arith.constant 0 : index
    %get3A_18 = arith.constant 0 : index
    %get3A_19 = vector.load %arg2[%get3A_17, %get3A_18] : memref<2504x128xf32, #tpu.memory_space<vmem>>, vector<1252x128xf32>
    %dot_general3A = arith.constant dense<0.000000e+00> : vector<1252x128xf32>
    %dot_general3A_20 = tpu.matmul %get3A_19, %get3A_16, %dot_general3A {dimension_numbers = #tpu.dot_dimension_numbers<[1], [0], [0], [1], [0, 0, 1, 1], [], []>, transpose_lhs_hint = false} : vector<1252x128xf32>, vector<128x128xf32>, vector<1252x128xf32> -> vector<1252x128xf32>
    %add3A_21 = arith.addf %div3A, %dot_general3A_20 : vector<1252x128xf32>
    %swap3A = arith.constant 0 : index
    %swap3A_22 = arith.constant 0 : index
    %swap3A_23 = vector.load %arg4[%swap3A, %swap3A_22] : memref<2504x128xf32, #tpu.memory_space<vmem>>, vector<1252x128xf32>
    tpu.vector_store %arg4[%swap3A, %swap3A_22], %add3A_21 {strides = array<i32>} : memref<2504x128xf32, #tpu.memory_space<vmem>>, vector<1252x128xf32>,
    %get3A_24 = arith.constant 1252 : index
    %get3A_25 = arith.constant 0 : index
    %get3A_26 = vector.load %arg2[%get3A_24, %get3A_25] : memref<2504x128xf32, #tpu.memory_space<vmem>>, vector<1252x128xf32>
    %dot_general3A_27 = arith.constant dense<0.000000e+00> : vector<1252x128xf32>
    %dot_general3A_28 = tpu.matmul %get3A_26, %get3A_16, %dot_general3A_27 {dimension_numbers = #tpu.dot_dimension_numbers<[1], [0], [0], [1], [0, 0, 1, 1], [], []>, transpose_lhs_hint = false} : vector<1252x128xf32>, vector<128x128xf32>, vector<1252x128xf32> -> vector<1252x128xf32>
    %swap3A_29 = arith.constant 1252 : index
    %swap3A_30 = arith.constant 0 : index
    %swap3A_31 = vector.load %arg4[%swap3A_29, %swap3A_30] : memref<2504x128xf32, #tpu.memory_space<vmem>>, vector<1252x128xf32>
    tpu.vector_store %arg4[%swap3A_29, %swap3A_30], %dot_general3A_28 {strides = array<i32>} : memref<2504x128xf32, #tpu.memory_space<vmem>>, vector<1252x128xf32>,
    return
  }
}

</mosaic_0001>

<sc_bundles>
// kernel: kernel.6.cloned.1.call-start
scs
__scs_entry_jumppad:
0x0: {  	(pc) =	sbr.rel $0x88, $3  }
0x1: {  	(tag) =	ssettag $0x0;
	lr =	simm.s32 $0x1  }
0x2: {  	[smem:$0x3F98] =	sst lr;
	_ =	strace $0xD0000000  }
0x3: {  	_ = 	snop  }
0x4: {  	_ = 	snop  }
0x5: {  	_ = 	snop  }
0x6: {  	_ = 	snop  }
0x7: {  	_ = 	snop  }
__scs_overlays_trampoline_lowered:
0x8: {  	[smem:$0x3FA7] =	sst s0  }
0x9: {  	[smem:$0x3FA8] =	sst s1  }
0xa: {  	[smem:$0x3FA9] =	sst s2  }
0xb: {  	[smem:$0x3FAA] =	sst s3  }
0xc: {  	[smem:$0x3FAB] =	sst s4  }
0xd: {  	[smem:$0x3FAC] =	sst s5  }
0xe: {  	[smem:$0x3FAD] =	sst s6  }
0xf: {  	[smem:$0x3FAE] =	sst s7  }
0x10: {  	[smem:$0x3FAF] =	sst s8  }
0x11: {  	[smem:$0x3FB0] =	sst s9;
	s0 =	simm.s32 @!p0 $0x0  }
0x12: {  	s1 =	sld [smem:$0x3F96];
	s0 =	simm.s32 @p0 $0x1  }
0x13: {  	[smem:$0x3FB1] =	sst s0;
	s0 =	simm.s32 @!p1 $0x0  }
0x14: {  	s2 =	sld [smem:$0x3F95];
	s0 =	simm.s32 @p1 $0x1  }
0x15: {  	[smem:$0x3FB2] =	sst s0;
	s0 =	simm.s32 @!p2 $0x0  }
0x16: {  	s3 =	sld [smem:$0x3FDB];
	s0 =	simm.s32 @p2 $0x1  }
0x17: {  	s4 =	simm.s32 $0x1BF5;
	[smem:$0x3FB4] =	sst s0  }
0x18: {  	s0 =	sld [smem:$0x3F97];
	_ =	swait.ge [sflag:s4], $0x0  }
0x19: {  	s7 =	sld [smem:$0x3F98]  }
0x1a: {  	s8 =	sadd.s32 $0xFFFFE003, lr  }
0x1b: {  	s9 =	sadd.s32 $0xFFFFFEF7, lr;
	s5 =	simm.s32 $0xFFFFFFFF;
	p2 =	slt.u32 s8, $0xFFFFF086  }
0x1c: {  	p1 =	slt.u32 s9, $0xF7A;
	s5 =	simm.s32 @!p2 $0x0  }
0x1d: {  	s5 =	simm.s32 @p1 $0x1;
	p0 =	seq.s32 s7, s2  }
0x1e: {  	s7 =	smul.u32 @!p0 $0xF7A, s2;
	p2 =	seq.s32 @!p0 s5, $0x0  }
0x1f: {  	s9 =	smul.u32 $0xF7A, s1;
	s8 =	simm.s32 @!p0 $0x1BF5;
	p2 =	por !p2, p0  }
0x20: {  	[sflag:s8] =	ssyncset.s32 @!p0 $0xFFFFF086;
	s6 =	sadd.s32 @!p0 s3, s7;
	s7 =	simm.s32 @!p0 $0x108  }
0x21: {  	s3 =	sadd.s32 s3, s9;
	s6 =	sadd.s32 @!p0 $0x88, s6;
	s7 =	simm.s32 @p2 $0x1082  }
0x22: {  	[simem:s7], [sflag:s8] =	dma.local @!p0 [hbm:s6], $0xF7A  }
0x23: {  	s9 =	sor.u32 $0xD0000000, s2;
	s6 =	simm.s32 $0x108;
	_ =	swait.ge @!p0 [sflag:s8], $0x0  }
0x24: {  	s3 =	sadd.s32 $0x88, s3;
	s6 =	simm.s32 @!p1 $0x1082;
	[sflag:s4] =	ssyncset.s32 $0xFFFFF086  }
0x25: {  	[simem:s6], [sflag:s4] =	dma.local [hbm:s3], $0xF7A  }
0x26: {  	[smem:$0x3F98] =	sst s1;
	(tag) =	ssettag s2;
	_ =	strace s9  }
0x27: {  	s1 =	sld [smem:$0x3FA8]  }
0x28: {  	s2 =	sld [smem:$0x3FA9]  }
0x29: {  	s4 =	sld [smem:$0x3FAB]  }
0x2a: {  	p0 =	seq.s32 s5, $0x0;
	s5 =	sld [smem:$0x3FAC]  }
0x2b: {  	s6 =	sld [smem:$0x3FAD]  }
0x2c: {  	s7 =	sld [smem:$0x3FAE]  }
0x2d: {  	s3 =	simm.s32 $0x108;
	s8 =	sld [smem:$0x3FAF]  }
0x2e: {  	s3 =	simm.s32 @!p0 $0x1082;
	s9 =	sld [smem:$0x3FB0]  }
0x2f: {  	lr =	sadd.s32 s0, s3;
	s0 =	sld [smem:$0x3FA7]  }
0x30: {  	s3 =	sld [smem:$0x3FAA]  }
0x31: {  	[smem:$0x3FB3] =	sst s10  }
0x32: {  	s10 =	sld [smem:$0x3FB1];
	_ =	sdelay $0x3  }
0x33: {  	p0 =	seq.s32 s10, $0x1;
	s10 =	sld [smem:$0x3FB3];
	_ =	sdelay $0x3  }
0x34: {  	[smem:$0x3FB3] =	sst s10  }
0x35: {  	s10 =	sld [smem:$0x3FB2];
	_ =	sdelay $0x3  }
0x36: {  	p1 =	seq.s32 s10, $0x1;
	s10 =	sld [smem:$0x3FB3];
	_ =	sdelay $0x3  }
0x37: {  	[smem:$0x3FB3] =	sst s10  }
0x38: {  	s10 =	sld [smem:$0x3FB4]  }
0x39: {  	_ = 	snop;
	(pc) =	sbr.ind lr, $3  }
0x3a: {  	_ = 	snop  }
0x3b: {  	_ = 	snop  }
0x3c: {  	p2 =	seq.s32 s10, $0x1;
	s10 =	sld [smem:$0x3FB3]  }
0x3d: {  	_ =	shalt  }
0x3e: {  	_ =	shalt  }
0x3f: {  	_ =	shalt  }
0x40: {  	_ =	shalt  }
0x41: {  	_ =	shalt  }
0x42: {  	_ =	shalt  }
0x43: {  	_ =	shalt  }
0x44: {  	_ =	shalt  }
0x45: {  	_ =	shalt  }
0x46: {  	_ =	shalt  }
0x47: {  	_ =	shalt  }
0x48: {  	_ =	shalt  }
0x49: {  	_ =	shalt  }
0x4a: {  	_ =	shalt  }
0x4b: {  	_ =	shalt  }
0x4c: {  	_ =	shalt  }
0x4d: {  	_ =	shalt  }
0x4e: {  	_ =	shalt  }
0x4f: {  	_ =	shalt  }
0x50: {  	_ =	shalt  }
0x51: {  	_ =	shalt  }
0x52: {  	_ =	shalt  }
0x53: {  	_ =	shalt  }
0x54: {  	_ =	shalt  }
0x55: {  	_ =	shalt  }
0x56: {  	_ =	shalt  }
0x57: {  	_ =	shalt  }
0x58: {  	_ =	shalt  }
0x59: {  	_ =	shalt  }
0x5a: {  	_ =	shalt  }
0x5b: {  	_ =	shalt  }
0x5c: {  	_ =	shalt  }
0x5d: {  	_ =	shalt  }
0x5e: {  	_ =	shalt  }
0x5f: {  	_ =	shalt  }
0x60: {  	_ =	shalt  }
0x61: {  	_ =	shalt  }
0x62: {  	_ =	shalt  }
0x63: {  	_ =	shalt  }
0x64: {  	_ =	shalt  }
0x65: {  	_ =	shalt  }
0x66: {  	_ =	shalt  }
0x67: {  	_ =	shalt  }
0x68: {  	_ =	shalt  }
0x69: {  	_ =	shalt  }
0x6a: {  	_ =	shalt  }
0x6b: {  	_ =	shalt  }
0x6c: {  	_ =	shalt  }
0x6d: {  	_ =	shalt  }
0x6e: {  	_ =	shalt  }
0x6f: {  	_ =	shalt  }
0x70: {  	_ =	shalt  }
0x71: {  	_ =	shalt  }
0x72: {  	_ =	shalt  }
0x73: {  	_ =	shalt  }
0x74: {  	_ =	shalt  }
0x75: {  	_ =	shalt  }
0x76: {  	_ =	shalt  }
0x77: {  	_ =	shalt  }
0x78: {  	_ =	shalt  }
0x79: {  	_ =	shalt  }
0x7a: {  	_ =	shalt  }
0x7b: {  	_ =	shalt  }
0x7c: {  	_ =	shalt  }
0x7d: {  	_ =	shalt  }
0x7e: {  	_ =	shalt  }
0x7f: {  	_ =	shalt  }
0x80: {  	_ =	shalt  }
0x81: {  	_ =	shalt  }
0x82: {  	_ =	shalt  }
0x83: {  	_ =	shalt  }
0x84: {  	_ =	shalt  }
0x85: {  	_ =	shalt  }
0x86: {  	_ =	shalt  }
0x87: {  	_ =	shalt  }
.Lfunc_end0:
.L_simem_size_0:
called_computation_lowered:
.L_overlay_start_0:
0x88: {  	s2 =	sld [smem:$0x3FD9]  }
0x89: {  	s3 =	sld [smem:$0x3FFE];
	_ =	sdelay $0x1  }
0x8a: {  	s1 =	srdreg.scid  }
0x8b: {  	s0 =	sand.u32 $0x1, s1  }
0x8c: {  	s17 =	sshll.u32 s0, $0xA;
	s2 =	sadd.s32 s3, s2  }
0x8d: {  	s2 =	sadd.s32 s2, s17  }
0x8e: {  	[smem:$0x3FBF] =	sst s2  }
0x8f: {  	_ = 	snop  }
0x90: {  	s2 =	sld [smem:$0x3FD0];
	(tm) =	ssettm $0x1  }
0x91: {  	s18 =	sld [smem:$0x3FFB];
	_ =	sdelay $0x3  }
0x92: {  	_ =	strace s18  }
0x93: {  	s3 =	sld [smem:$0x3FFC];
	_ =	sdelay $0x3  }
0x94: {  	_ =	strace s3  }
0x95: {  	s3 =	sld [smem:$0x3FFD];
	_ =	sdelay $0x3  }
0x96: {  	_ =	strace s3  }
0x97: {  	_ =	strace $0x8FFFFFFF  }
0x98: {  	s19 =	sld [smem:$0x3FDB];
	_ =	sdelay $0x1  }
0x99: {  	s4 =	simm.s32 $_scs_section_size  }
0x9a: {  	s5 =	simm.s32 $_size__tile_overlayer_lowered;
	s6 =	simm.s32 $_tile_overlayer_lowered  }
0x9b: {  	s22 =	simm.s32 $0x1BFF;
	s21 =	sshll.u32 s6, $0x1;
	s3 =	sadd.s32 s4, s19  }
0x9c: {  	s7 =	simm.s32 $0x0;
	s20 =	sshll.u32 s5, $0x1;
	s5 =	sadd.s32 s21, s3  }
0x9d: {  	[timem:s7], [sflag:s22] =	dma.local [hbm:s5], s20  }
0x9e: {  	_ =	swait.ge [sflag:s22], s20  }
0x9f: {  	s4 =	ssub.s32 $0x0, s20;
	[sflag:s22] =	ssyncset.done $0x0  }
0xa0: {  	[sflag:s22] =	ssyncadd.s32 s4;
	_ =	sdelay $0x1  }
0xa1: {  	s23 =	simm.s32 $0x1B8B  }
0xa2: {  	_ =	swait.ge [sflag:s23], $0x1  }
0xa3: {  	[sflag:s23] =	ssyncset.done $0x0  }
0xa4: {  	s25 =	simm.s32 $0x1B8E;
	s24 =	sld [smem:$0x3FFE];
	[sflag:s23] =	ssyncadd.s32 $0xFFFFFFFF  }
0xa5: {  	s26 =	simm.s32 $execute0_lowered;
	[smem:$0x3FD2] =	sst s25  }
0xa6: {  	s5 =	sshll.u32 s26, $0x1;
	_ =	strace $0x80000046;
	[dreg:$0x1] =	wrdreg $0xFFFFFFFF  }
0xa7: {  	s28 =	simm.s32 $_size_execute0_lowered;
	s3 =	sadd.s32 s3, s5;
	[dreg:$0x0] =	wrdreg $0x0  }
0xa8: {  	s5 =	sshll.u32 s28, $0x1;
	[dreg:$0x2] =	wrdreg s3  }
0xa9: {  	[dreg:$0x3] =	wrdreg s5  }
0xaa: {  	[dreg:$0x4] =	wrdreg $0xC0  }
0xab: {  	_ =	task [dreg:s7], $0x5FFFF  }
0xac: {  	[dreg:$0x1] =	wrdreg $0xFFFFFFFF  }
0xad: {  	[dreg:$0x0] =	wrdreg $0x60  }
0xae: {  	[dreg:$0x2] =	wrdreg s2  }
0xaf: {  	[dreg:$0x3] =	wrdreg s24  }
0xb0: {  	[dreg:$0x4] =	wrdreg $0x154000  }
0xb1: {  	[dreg:$0x5] =	wrdreg $0x9  }
0xb2: {  	_ =	task.clear_ibuf [dreg:s7], $0x6FFFF;
	_ =	strace $0x90000046  }
0xb3: {  	s29 =	simm.s32 $0x9;
	_ =	strace $0x80000048  }
0xb4: {  	_ =	swait.ge [sflag:s29], $0x1  }
0xb5: {  	[sflag:s29] =	ssyncadd.s32 $0xFFFFFFFF  }
0xb6: {  	_ =	strace $0x90000048  }
0xb7: {  	_ =	sfence  }
0xb8: {  	s30 =	sld [smem:$0x0];
	_ =	sdelay $0x2  }
0xb9: {  	s31 =	sshll.u32 s1, $0xD;
	s1 =	sshrl.u32 s1, $0x2  }
0xba: {  	s3 =	sand.u32 $0x4000, s31;
	s1 =	sadd.s32 s1, s30  }
0xbb: {  	s0 =	sor.u32 s3, s0;
	s1 =	sshll.u32 s1, $0x11  }
0xbc: {  	s0 =	sor.u32 s1, s0  }
0xbd: {  	s0 =	sadd.s32 $0x8F2B, s0  }
0xbe: {  	[sflag:s0] =	ssyncadd.remote.s32 $0x1  }
0xbf: {  	_ =	sfence.sel $0xFFFF  }
0xc0: {  	[dreg:$0x0] =	wrdreg $0xFFFFFFFF;
	(pc) =	sbr.abs _section_cstart, $3  }
0xc1: {  	[dreg:$0x1] =	wrdreg $0xFFFFFFFF  }
0xc2: {  	_ =	task.clear_ibuf [dreg:s7], $0x2FFFF;
	_ =	strace $0x9FFFFFFF  }
0xc3: {  	(tm) =	ssettm $0x7FFFFFFF  }
tec
execute0_lowered:
.L_overlay_start_1:
0x0: {  	(tag) =	ssettag $0x1  }
0x1: {  	s4 =	rddreg [dreg:$0x0];
	s1 =	srdreg.scid  }
0x2: {  	s0 =	stileid.u32;
	s5 =	rddreg [dreg:$0x1]  }
0x3: {  	s2 =	rddreg [dreg:$0x2];
	s3 =	simm.s32 $0x0;
	s13 =	simm.s32 $0x80  }
0x4: {  	s14 =	simm.s32 $0x1;
	s15 =	simm.s32 $0x1400;
	s16 =	simm.s32 $0x0  }
0x5: {  	s6 =	sand.u32 $0x1, s1;
	s29 =	sshll.u32 s0, $0x1;
	s1 =	rddreg [dreg:$0x3]  }
0x6: {  	[smem:$0x7FF] =	sst s3;
	s9 =	smul.u32 $0x2710, s0;
	s7 =	sor.u32 s6, s29  }
0x7: {  	s31 =	sshll.u32 s0, $0x6;
	s6 =	ssub.s32 $0x2, s6;
	s8 =	smul.u32 $0x1400, s7  }
0x8: {  	_ =	strace $0x80000047;
	s7 =	smul.u32 $0x2800, s7;
	s10 =	sshrl.u32 s6, $0x1  }
0x9: {  	s30 =	sshrl.u32 s9, $0x3;
	s12 =	sadd.s32 s9, s2;
	s10 =	ssub.s32 s6, s10  }
0xa: {  	s4 =	sadd.s32 s4, s30;
	s8 =	sshrl.u32 s8, $0x3;
	s11 =	sadd.s32 s7, s5  }
0xb: {  	s10 =	smax.u32 s10, $0x1;
	s8 =	sadd.s32 s8, s5;
	s5 =	sor.u32 $0x1C02, s31  }
0xc: {  	s7 =	sadd.s32 $0xE200, s11;
	s9 =	sadd.s32 $0x5E200, s11;
	s11 =	sshrl.u32 s12, $0x3  }
0xd: {  	s12 =	simm.s32 $0x2;
	s6 =	sadd.s32 $0x4200, s8;
	s8 =	sadd.s32 $0x9200, s8  }
.LBB2_1:
0xe: {  	[spmem:s11], [sflag:s5] =	dma.local [hbm:s4], $0x4E2  }
0xf: {  	_ =	swait.ge [sflag:s12], $0x4E2  }
0x10: {  	[sflag:s12] =	ssyncset.done $0x0  }
0x11: {  	[sflag:s12] =	ssyncadd.s32 $0xFFFFFB1E  }
0x12: {  	[bflag:$0x0] =	sbarrier.arrive $0xFFFF  }
0x13: {  	[tilespmem:s3], [sflag:$0x2] =	stream.linear.gather [hbm4b:s6+s3], $0x1400, $0x38;
	[tilespmem:$0x17B10] =	vst v63  }
0x14: {  	_ =	swait.ge [sflag:s12], $0x1400  }
0x15: {  	s17 =	simm.s32 $0x200;
	s20 =	simm.s32 $0x0;
	[sflag:s12] =	ssyncset.done $0x0  }
0x16: {  	s18 =	simm.s32 $0x1C00;
	s19 =	simm.s32 $0x1400;
	[sflag:s12] =	ssyncadd.s32 $0xFFFFEC00  }
.LBB2_2:
0x17: {  	[tilespmem:s19], [sflag:$0x1] =	stream.indirect.gather [spmem:s2], $0x10, s20, s13, $0xb8;
	[tilespmem:$0x17B10] =	vst v63  }
0x18: {  	s20 =	smov.u32 s17;
	s19 =	smov.u32 s18;
	p0 =	sne.s32 s17, $0x4E00  }
.Ltmp0:
0x19: {  	s17 =	sadd.s32 $0x200, s17;
	(pc) =	sbr.rel @p0 .LBB2_2-.Ltmp0, $2  }
0x1a: {  	_ =	sdelay $0x2  }
0x1b: {  	s18 =	sadd.s32 $0x800, s18;
	s20 =	sshra.s32 s20, $0x2  }
0x1c: {  	[tilespmem:s19], [sflag:$0x1] =	stream.indirect.gather [spmem:s2], $0x10, s20, s13, $0xb8;
	[tilespmem:$0x17B10] =	vst v63  }
0x1d: {  	_ =	swait.ge [sflag:s14], $0x14000  }
0x1e: {  	[sflag:s14] =	ssyncset.done $0x0  }
0x1f: {  	s18 =	simm.s32 $0x0;
	s17 =	simm.s32 $0x1400;
	[sflag:s14] =	ssyncadd.s32 $0xFFFEC000  }
0x20: {  	[hbm4b:s7+s18] =	stream.linear.scatter [tilespmem:s17], [sflag:$0x2], $0x14000, $0x38;
	[tilespmem:$0x17B10] =	vst v63  }
0x21: {  	_ =	swait.ge [sflag:s12], $0x14000  }
0x22: {  	[sflag:s12] =	ssyncset.done $0x0  }
0x23: {  	[sflag:s12] =	ssyncadd.s32 $0xFFFEC000  }
0x24: {  	[tilespmem:s18], [sflag:$0x2] =	stream.linear.gather [hbm4b:s8+s18], $0x1400, $0x38;
	[tilespmem:$0x17B10] =	vst v63  }
0x25: {  	_ =	swait.ge [sflag:s12], $0x1400  }
0x26: {  	s20 =	simm.s32 $0x0;
	[sflag:s12] =	ssyncset.done $0x0  }
0x27: {  	s19 =	simm.s32 $0x1C00;
	s18 =	simm.s32 $0x200;
	[sflag:s12] =	ssyncadd.s32 $0xFFFFEC00  }
.LBB2_4:
0x28: {  	[tilespmem:s17], [sflag:$0x1] =	stream.indirect.gather [spmem:s2], $0x10, s20, s13, $0xb8;
	[tilespmem:$0x17B10] =	vst v63  }
0x29: {  	s20 =	smov.u32 s18;
	s17 =	smov.u32 s19;
	p0 =	sne.s32 s18, $0x4E00  }
.Ltmp1:
0x2a: {  	s18 =	sadd.s32 $0x200, s18;
	(pc) =	sbr.rel @p0 .LBB2_4-.Ltmp1, $2  }
0x2b: {  	_ =	sdelay $0x2  }
0x2c: {  	s19 =	sadd.s32 $0x800, s19;
	s20 =	sshra.s32 s20, $0x2  }
0x2d: {  	[tilespmem:s17], [sflag:$0x1] =	stream.indirect.gather [spmem:s2], $0x10, s20, s13, $0xb8;
	[tilespmem:$0x17B10] =	vst v63  }
0x2e: {  	s16 =	sadd.s32 $0x1, s16;
	_ =	swait.ge [sflag:s14], $0x14000  }
0x2f: {  	p0 =	sne.s32 s16, s10;
	[sflag:s14] =	ssyncset.done $0x0  }
.Ltmp2:
0x30: {  	[sflag:s14] =	ssyncadd.s32 $0xFFFEC000;
	(pc) =	sbr.rel @p0 .LBB2_1-.Ltmp2, $4  }
0x31: {  	[hbm4b:s9+s3] =	stream.linear.scatter [tilespmem:s15], [sflag:$0x2], $0x14000, $0x38;
	[tilespmem:$0x17B10] =	vst v63  }
0x32: {  	_ =	swait.ge [sflag:s12], $0x14000  }
0x33: {  	[sflag:s12] =	ssyncset.done $0x0  }
0x34: {  	[sflag:s12] =	ssyncadd.s32 $0xFFFEC000  }
0x35: {  	_ =	sfence.sel $0x180000  }
0x36: {  	[bflag:$0x0] =	sbarrier.arrive $0xFFFF  }
0x37: {  	p0 =	sne.s32 s0, $0x0;
	_ =	strace $0x90000047  }
0x38: {  	s0 =	sadd.s32 @!p0 $0x100000, s1;
	[bflag:$0x2] =	sbarrier.arrive $0xFFFF  }
0x39: {  	[sflag:s0] =	ssyncadd.tile.s32 @!p0 $0x1;
	_ =	shalt  }
.Lfunc_end2:
_tile_overlayer_lowered:
.L_overlay_start_2:
0x3a: {  	(tag) =	ssettag $0x2  }
0x3b: {  	s0 =	rddreg [dreg:$0x0];
	s2 =	stileid.u32  }
0x3c: {  	s1 =	rddreg [dreg:$0x1];
	p0 =	sne.s32 s2, $0x0  }
0x3d: {  	s3 =	rddreg [dreg:$0x2];
	[bflag:$0x3] =	sbarrier.arrive $0xFFFF;
	s2 =	simm.s32 @!p0 $0x1C02  }
0x3e: {  	[timem:s3], [sflag:s2] =	dma.local @!p0 [hbm:s0], s1  }
0x3f: {  	s0 =	simm.s32 @!p0 $0x2  }
0x40: {  	_ =	swait.ge @!p0 [sflag:s0], s1  }
0x41: {  	s1 =	ssub.s32 @!p0 $0x0, s1;
	[sflag:s0] =	ssyncset.done @!p0 $0x0  }
0x42: {  	[sflag:s0] =	ssyncadd.s32 @!p0 s1  }
0x43: {  	[bflag:$0x3] =	sbarrier.arrive $0xFFFF  }
0x44: {  	_ =	shalt  }

// kernel: kernel.9.cloned.1.call-start
scs
__scs_entry_jumppad:
0x0: {  	(pc) =	sbr.rel $0x88, $3  }
0x1: {  	(tag) =	ssettag $0x0;
	lr =	simm.s32 $0x1  }
0x2: {  	[smem:$0x3F98] =	sst lr;
	_ =	strace $0xD0000000  }
0x3: {  	_ = 	snop  }
0x4: {  	_ = 	snop  }
0x5: {  	_ = 	snop  }
0x6: {  	_ = 	snop  }
0x7: {  	_ = 	snop  }
__scs_overlays_trampoline_lowered:
0x8: {  	[smem:$0x3FA7] =	sst s0  }
0x9: {  	[smem:$0x3FA8] =	sst s1  }
0xa: {  	[smem:$0x3FA9] =	sst s2  }
0xb: {  	[smem:$0x3FAA] =	sst s3  }
0xc: {  	[smem:$0x3FAB] =	sst s4  }
0xd: {  	[smem:$0x3FAC] =	sst s5  }
0xe: {  	[smem:$0x3FAD] =	sst s6  }
0xf: {  	[smem:$0x3FAE] =	sst s7  }
0x10: {  	[smem:$0x3FAF] =	sst s8  }
0x11: {  	[smem:$0x3FB0] =	sst s9;
	s0 =	simm.s32 @!p0 $0x0  }
0x12: {  	s1 =	sld [smem:$0x3F96];
	s0 =	simm.s32 @p0 $0x1  }
0x13: {  	[smem:$0x3FB1] =	sst s0;
	s0 =	simm.s32 @!p1 $0x0  }
0x14: {  	s2 =	sld [smem:$0x3F95];
	s0 =	simm.s32 @p1 $0x1  }
0x15: {  	[smem:$0x3FB2] =	sst s0;
	s0 =	simm.s32 @!p2 $0x0  }
0x16: {  	s3 =	sld [smem:$0x3FDB];
	s0 =	simm.s32 @p2 $0x1  }
0x17: {  	s4 =	simm.s32 $0x1BF5;
	[smem:$0x3FB4] =	sst s0  }
0x18: {  	s0 =	sld [smem:$0x3F97];
	_ =	swait.ge [sflag:s4], $0x0  }
0x19: {  	s7 =	sld [smem:$0x3F98]  }
0x1a: {  	s8 =	sadd.s32 $0xFFFFE003, lr  }
0x1b: {  	s9 =	sadd.s32 $0xFFFFFEF7, lr;
	s5 =	simm.s32 $0xFFFFFFFF;
	p2 =	slt.u32 s8, $0xFFFFF086  }
0x1c: {  	p1 =	slt.u32 s9, $0xF7A;
	s5 =	simm.s32 @!p2 $0x0  }
0x1d: {  	s5 =	simm.s32 @p1 $0x1;
	p0 =	seq.s32 s7, s2  }
0x1e: {  	s7 =	smul.u32 @!p0 $0xF7A, s2;
	p2 =	seq.s32 @!p0 s5, $0x0  }
0x1f: {  	s9 =	smul.u32 $0xF7A, s1;
	s8 =	simm.s32 @!p0 $0x1BF5;
	p2 =	por !p2, p0  }
0x20: {  	[sflag:s8] =	ssyncset.s32 @!p0 $0xFFFFF086;
	s6 =	sadd.s32 @!p0 s3, s7;
	s7 =	simm.s32 @!p0 $0x108  }
0x21: {  	s3 =	sadd.s32 s3, s9;
	s6 =	sadd.s32 @!p0 $0x88, s6;
	s7 =	simm.s32 @p2 $0x1082  }
0x22: {  	[simem:s7], [sflag:s8] =	dma.local @!p0 [hbm:s6], $0xF7A  }
0x23: {  	s9 =	sor.u32 $0xD0000000, s2;
	s6 =	simm.s32 $0x108;
	_ =	swait.ge @!p0 [sflag:s8], $0x0  }
0x24: {  	s3 =	sadd.s32 $0x88, s3;
	s6 =	simm.s32 @!p1 $0x1082;
	[sflag:s4] =	ssyncset.s32 $0xFFFFF086  }
0x25: {  	[simem:s6], [sflag:s4] =	dma.local [hbm:s3], $0xF7A  }
0x26: {  	[smem:$0x3F98] =	sst s1;
	(tag) =	ssettag s2;
	_ =	strace s9  }
0x27: {  	s1 =	sld [smem:$0x3FA8]  }
0x28: {  	s2 =	sld [smem:$0x3FA9]  }
0x29: {  	s4 =	sld [smem:$0x3FAB]  }
0x2a: {  	p0 =	seq.s32 s5, $0x0;
	s5 =	sld [smem:$0x3FAC]  }
0x2b: {  	s6 =	sld [smem:$0x3FAD]  }
0x2c: {  	s7 =	sld [smem:$0x3FAE]  }
0x2d: {  	s3 =	simm.s32 $0x108;
	s8 =	sld [smem:$0x3FAF]  }
0x2e: {  	s3 =	simm.s32 @!p0 $0x1082;
	s9 =	sld [smem:$0x3FB0]  }
0x2f: {  	lr =	sadd.s32 s0, s3;
	s0 =	sld [smem:$0x3FA7]  }
0x30: {  	s3 =	sld [smem:$0x3FAA]  }
0x31: {  	[smem:$0x3FB3] =	sst s10  }
0x32: {  	s10 =	sld [smem:$0x3FB1];
	_ =	sdelay $0x3  }
0x33: {  	p0 =	seq.s32 s10, $0x1;
	s10 =	sld [smem:$0x3FB3];
	_ =	sdelay $0x3  }
0x34: {  	[smem:$0x3FB3] =	sst s10  }
0x35: {  	s10 =	sld [smem:$0x3FB2];
	_ =	sdelay $0x3  }
0x36: {  	p1 =	seq.s32 s10, $0x1;
	s10 =	sld [smem:$0x3FB3];
	_ =	sdelay $0x3  }
0x37: {  	[smem:$0x3FB3] =	sst s10  }
0x38: {  	s10 =	sld [smem:$0x3FB4]  }
0x39: {  	_ = 	snop;
	(pc) =	sbr.ind lr, $3  }
0x3a: {  	_ = 	snop  }
0x3b: {  	_ = 	snop  }
0x3c: {  	p2 =	seq.s32 s10, $0x1;
	s10 =	sld [smem:$0x3FB3]  }
0x3d: {  	_ =	shalt  }
0x3e: {  	_ =	shalt  }
0x3f: {  	_ =	shalt  }
0x40: {  	_ =	shalt  }
0x41: {  	_ =	shalt  }
0x42: {  	_ =	shalt  }
0x43: {  	_ =	shalt  }
0x44: {  	_ =	shalt  }
0x45: {  	_ =	shalt  }
0x46: {  	_ =	shalt  }
0x47: {  	_ =	shalt  }
0x48: {  	_ =	shalt  }
0x49: {  	_ =	shalt  }
0x4a: {  	_ =	shalt  }
0x4b: {  	_ =	shalt  }
0x4c: {  	_ =	shalt  }
0x4d: {  	_ =	shalt  }
0x4e: {  	_ =	shalt  }
0x4f: {  	_ =	shalt  }
0x50: {  	_ =	shalt  }
0x51: {  	_ =	shalt  }
0x52: {  	_ =	shalt  }
0x53: {  	_ =	shalt  }
0x54: {  	_ =	shalt  }
0x55: {  	_ =	shalt  }
0x56: {  	_ =	shalt  }
0x57: {  	_ =	shalt  }
0x58: {  	_ =	shalt  }
0x59: {  	_ =	shalt  }
0x5a: {  	_ =	shalt  }
0x5b: {  	_ =	shalt  }
0x5c: {  	_ =	shalt  }
0x5d: {  	_ =	shalt  }
0x5e: {  	_ =	shalt  }
0x5f: {  	_ =	shalt  }
0x60: {  	_ =	shalt  }
0x61: {  	_ =	shalt  }
0x62: {  	_ =	shalt  }
0x63: {  	_ =	shalt  }
0x64: {  	_ =	shalt  }
0x65: {  	_ =	shalt  }
0x66: {  	_ =	shalt  }
0x67: {  	_ =	shalt  }
0x68: {  	_ =	shalt  }
0x69: {  	_ =	shalt  }
0x6a: {  	_ =	shalt  }
0x6b: {  	_ =	shalt  }
0x6c: {  	_ =	shalt  }
0x6d: {  	_ =	shalt  }
0x6e: {  	_ =	shalt  }
0x6f: {  	_ =	shalt  }
0x70: {  	_ =	shalt  }
0x71: {  	_ =	shalt  }
0x72: {  	_ =	shalt  }
0x73: {  	_ =	shalt  }
0x74: {  	_ =	shalt  }
0x75: {  	_ =	shalt  }
0x76: {  	_ =	shalt  }
0x77: {  	_ =	shalt  }
0x78: {  	_ =	shalt  }
0x79: {  	_ =	shalt  }
0x7a: {  	_ =	shalt  }
0x7b: {  	_ =	shalt  }
0x7c: {  	_ =	shalt  }
0x7d: {  	_ =	shalt  }
0x7e: {  	_ =	shalt  }
0x7f: {  	_ =	shalt  }
0x80: {  	_ =	shalt  }
0x81: {  	_ =	shalt  }
0x82: {  	_ =	shalt  }
0x83: {  	_ =	shalt  }
0x84: {  	_ =	shalt  }
0x85: {  	_ =	shalt  }
0x86: {  	_ =	shalt  }
0x87: {  	_ =	shalt  }
.Lfunc_end0:
.L_simem_size_0:
called_computation.1_lowered:
.L_overlay_start_0:
0x88: {  	s2 =	sld [smem:$0x3FD9]  }
0x89: {  	s3 =	sld [smem:$0x3FFE];
	_ =	sdelay $0x1  }
0x8a: {  	s1 =	srdreg.scid  }
0x8b: {  	s0 =	sand.u32 $0x1, s1  }
0x8c: {  	s17 =	sshll.u32 s0, $0xA;
	s2 =	sadd.s32 s3, s2  }
0x8d: {  	s2 =	sadd.s32 s2, s17  }
0x8e: {  	[smem:$0x3FBF] =	sst s2  }
0x8f: {  	_ = 	snop  }
0x90: {  	s2 =	sld [smem:$0x3FD0];
	(tm) =	ssettm $0x1  }
0x91: {  	s18 =	sld [smem:$0x3FFB];
	_ =	sdelay $0x3  }
0x92: {  	_ =	strace s18  }
0x93: {  	s3 =	sld [smem:$0x3FFC];
	_ =	sdelay $0x3  }
0x94: {  	_ =	strace s3  }
0x95: {  	s3 =	sld [smem:$0x3FFD];
	_ =	sdelay $0x3  }
0x96: {  	_ =	strace s3  }
0x97: {  	_ =	strace $0x8FFFFFFF  }
0x98: {  	s19 =	sld [smem:$0x3FDB];
	_ =	sdelay $0x1  }
0x99: {  	s4 =	simm.s32 $_scs_section_size  }
0x9a: {  	s5 =	simm.s32 $_size__tile_overlayer_lowered;
	s6 =	simm.s32 $_tile_overlayer_lowered  }
0x9b: {  	s22 =	simm.s32 $0x1BFF;
	s21 =	sshll.u32 s6, $0x1;
	s3 =	sadd.s32 s4, s19  }
0x9c: {  	s7 =	simm.s32 $0x0;
	s20 =	sshll.u32 s5, $0x1;
	s5 =	sadd.s32 s21, s3  }
0x9d: {  	[timem:s7], [sflag:s22] =	dma.local [hbm:s5], s20  }
0x9e: {  	_ =	swait.ge [sflag:s22], s20  }
0x9f: {  	s4 =	ssub.s32 $0x0, s20;
	[sflag:s22] =	ssyncset.done $0x0  }
0xa0: {  	[sflag:s22] =	ssyncadd.s32 s4;
	_ =	sdelay $0x1  }
0xa1: {  	s23 =	simm.s32 $0x1B8B  }
0xa2: {  	_ =	swait.ge [sflag:s23], $0x1  }
0xa3: {  	[sflag:s23] =	ssyncset.done $0x0  }
0xa4: {  	s25 =	simm.s32 $0x1B8E;
	s24 =	sld [smem:$0x3FFE];
	[sflag:s23] =	ssyncadd.s32 $0xFFFFFFFF  }
0xa5: {  	s26 =	simm.s32 $execute0_lowered;
	[smem:$0x3FD2] =	sst s25  }
0xa6: {  	s5 =	sshll.u32 s26, $0x1;
	_ =	strace $0x80000049;
	[dreg:$0x1] =	wrdreg $0xFFFFFFFF  }
0xa7: {  	s28 =	simm.s32 $_size_execute0_lowered;
	s3 =	sadd.s32 s3, s5;
	[dreg:$0x0] =	wrdreg $0x0  }
0xa8: {  	s5 =	sshll.u32 s28, $0x1;
	[dreg:$0x2] =	wrdreg s3  }
0xa9: {  	[dreg:$0x3] =	wrdreg s5  }
0xaa: {  	[dreg:$0x4] =	wrdreg $0xC0  }
0xab: {  	_ =	task [dreg:s7], $0x5FFFF  }
0xac: {  	[dreg:$0x1] =	wrdreg $0xFFFFFFFF  }
0xad: {  	[dreg:$0x0] =	wrdreg $0x60  }
0xae: {  	[dreg:$0x2] =	wrdreg s24  }
0xaf: {  	[dreg:$0x3] =	wrdreg s2  }
0xb0: {  	[dreg:$0x4] =	wrdreg $0x15C000  }
0xb1: {  	[dreg:$0x5] =	wrdreg $0x183200  }
0xb2: {  	[dreg:$0x6] =	wrdreg $0x9  }
0xb3: {  	_ =	task.clear_ibuf [dreg:s7], $0x7FFFF;
	_ =	strace $0x90000049  }
0xb4: {  	s29 =	simm.s32 $0x9;
	_ =	strace $0x8000004B  }
0xb5: {  	_ =	swait.ge [sflag:s29], $0x1  }
0xb6: {  	[sflag:s29] =	ssyncadd.s32 $0xFFFFFFFF  }
0xb7: {  	_ =	strace $0x9000004B  }
0xb8: {  	_ =	sfence  }
0xb9: {  	s30 =	sld [smem:$0x0];
	_ =	sdelay $0x2  }
0xba: {  	s31 =	sshll.u32 s1, $0xD;
	s1 =	sshrl.u32 s1, $0x2  }
0xbb: {  	s3 =	sand.u32 $0x4000, s31;
	s1 =	sadd.s32 s1, s30  }
0xbc: {  	s0 =	sor.u32 s3, s0;
	s1 =	sshll.u32 s1, $0x11  }
0xbd: {  	s0 =	sor.u32 s1, s0  }
0xbe: {  	s0 =	sadd.s32 $0x8F2B, s0  }
0xbf: {  	[sflag:s0] =	ssyncadd.remote.s32 $0x1  }
0xc0: {  	_ =	sfence.sel $0xFFFF  }
0xc1: {  	[dreg:$0x0] =	wrdreg $0xFFFFFFFF;
	(pc) =	sbr.abs _section_cstart, $3  }
0xc2: {  	[dreg:$0x1] =	wrdreg $0xFFFFFFFF  }
0xc3: {  	_ =	task.clear_ibuf [dreg:s7], $0x2FFFF;
	_ =	strace $0x9FFFFFFF  }
0xc4: {  	(tm) =	ssettm $0x7FFFFFFF  }
0xc5: {  	_ =	shalt  }
tec
execute0_lowered:
.L_overlay_start_1:
0x0: {  	(tag) =	ssettag $0x1  }
0x1: {  	s7 =	rddreg [dreg:$0x0]  }
0x2: {  	s11 =	rddreg [dreg:$0x1]  }
0x3: {  	s1 =	srdreg.scid;
	s2 =	rddreg [dreg:$0x2]  }
0x4: {  	s0 =	stileid.u32;
	s3 =	rddreg [dreg:$0x3]  }
0x5: {  	s4 =	simm.s32 $0x0;
	s18 =	simm.s32 $0x80;
	s19 =	simm.s32 $0x1  }
0x6: {  	s20 =	simm.s32 $0x2;
	s21 =	simm.s32 $0x0;
	s6 =	sand.u32 $0x1, s1  }
0x7: {  	s26 =	sshll.u32 s0, $0x1;
	s1 =	rddreg [dreg:$0x4];
	s8 =	smul.u32 $0x2720, s0  }
0x8: {  	[smem:$0x7FF] =	sst s4;
	s10 =	sor.u32 s6, s26;
	s9 =	smul.u32 $0x27200, s6  }
0x9: {  	s17 =	sshll.u32 s0, $0x6;
	_ =	strace $0x8000004A;
	s5 =	smul.u32 $0x2800, s10  }
0xa: {  	s13 =	ssub.s32 $0x2, s6;
	s6 =	sadd.s32 $0x5E800, s7;
	s14 =	smul.u32 $0x1400, s10  }
0xb: {  	s28 =	sshrl.u32 s13, $0x1;
	s30 =	sadd.s32 s8, s2;
	s31 =	sadd.s32 s8, s3  }
0xc: {  	p0 =	seq.s32 s10, $0x1F;
	s10 =	simm.s32 $0xA;
	s9 =	sadd.s32 s8, s9  }
0xd: {  	s13 =	ssub.s32 s13, s28;
	s10 =	simm.s32 @!p0 $0x28;
	s12 =	sadd.s32 s5, s7  }
0xe: {  	s5 =	sadd.s32 $0x5E200, s7;
	s15 =	sshrl.u32 s9, $0x3;
	s29 =	sshrl.u32 s14, $0x3  }
0xf: {  	s13 =	smax.u32 s13, $0x1;
	s14 =	sshrl.u32 s30, $0x3;
	s16 =	sadd.s32 s15, s7  }
0x10: {  	s9 =	sadd.s32 s7, s29;
	s7 =	sor.u32 $0x1C03, s17;
	s11 =	sadd.s32 s11, s15  }
0x11: {  	s15 =	simm.s32 $0x3;
	s17 =	simm.s32 $0x15400;
	s8 =	sadd.s32 $0x9200, s9  }
0x12: {  	s9 =	sadd.s32 $0xE200, s12;
	s12 =	sadd.s32 $0x5EA00, s16;
	s16 =	sshrl.u32 s31, $0x3  }
.LBB2_1:
0x13: {  	[spmem:s14], [sflag:s7] =	dma.local [hbm:s5], $0x4E4  }
0x14: {  	_ =	swait.ge [sflag:s15], $0x4E4  }
0x15: {  	[sflag:s15] =	ssyncset.done $0x0  }
0x16: {  	[sflag:s15] =	ssyncadd.s32 $0xFFFFFB1C  }
0x17: {  	[spmem:s16], [sflag:s7] =	dma.local [hbm:s5], $0x4E4  }
0x18: {  	_ =	swait.ge [sflag:s15], $0x4E4  }
0x19: {  	[sflag:s15] =	ssyncset.done $0x0  }
0x1a: {  	[sflag:s15] =	ssyncadd.s32 $0xFFFFFB1C  }
0x1b: {  	[tilespmem:s17], [sflag:$0x3] =	stream.linear.gather [hbm4b:s6+s4], $0x800, $0x38;
	[tilespmem:$0x1AA40] =	vst v63  }
0x1c: {  	_ =	swait.ge [sflag:s15], $0x800  }
0x1d: {  	[sflag:s15] =	ssyncset.done $0x0  }
0x1e: {  	[sflag:s15] =	ssyncadd.s32 $0xFFFFF800  }
0x1f: {  	[bflag:$0x0] =	sbarrier.arrive $0xFFFF  }
0x20: {  	[tilespmem:s4], [sflag:$0x3] =	stream.linear.gather [hbm4b:s8+s4], $0x1400, $0x38;
	[tilespmem:$0x1AA40] =	vst v63  }
0x21: {  	_ =	swait.ge [sflag:s15], $0x1400  }
0x22: {  	[sflag:s15] =	ssyncset.done $0x0  }
0x23: {  	s22 =	simm.s32 $0x1400;
	[sflag:s15] =	ssyncadd.s32 $0xFFFFEC00  }
0x24: {  	[tilespmem:s22], [sflag:$0x3] =	stream.linear.gather [hbm4b:s9+s4], $0x14000, $0x38;
	[tilespmem:$0x1AA40] =	vst v63  }
0x25: {  	_ =	swait.ge [sflag:s15], $0x14000  }
0x26: {  	[sflag:s15] =	ssyncset.done $0x0  }
0x27: {  	[sflag:s15] =	ssyncadd.s32 $0xFFFEC000  }
0x28: {  	[spmem:s2] =	stream.indirect.scatter.add.f32 [tilespmem:s22], [sflag:$0x1], $0x10, s4, s18, $0xb8;
	[tilespmem:$0x1AA40] =	vst v63  }
0x29: {  	p0 =	sne.s32 s10, $0x1  }
0x2a: {  	[spmem:s3] =	stream.indirect.scatter.add.f32 [tilespmem:s17], [sflag:$0x2], $0x10, s4, s18, $0xb8;
	[tilespmem:$0x1AA40] =	vst v63  }
.Ltmp0:
0x2b: {  	_ =	swait.ge [sflag:s19], $0x800;
	(pc) =	sbr.rel @!p0 .LBB2_3-.Ltmp0, $4  }
0x2c: {  	[sflag:s19] =	ssyncset.done $0x0  }
0x2d: {  	[sflag:s19] =	ssyncadd.s32 $0xFFFFF800  }
0x2e: {  	_ =	swait.ge [sflag:s20], $0x800  }
0x2f: {  	s23 =	sadd.s32 $0xFFFFFFFF, s10;
	s24 =	simm.s32 $0x0;
	[sflag:s20] =	ssyncset.done $0x0  }
.LBB2_2:
0x30: {  	[sflag:s20] =	ssyncadd.s32 $0xFFFFF800;
	s24 =	sadd.s32 $0x80, s24;
	s22 =	sadd.s32 $0x800, s22  }
0x31: {  	[spmem:s2] =	stream.indirect.scatter.add.f32 [tilespmem:s22], [sflag:$0x1], $0x10, s24, s18, $0xb8;
	[tilespmem:$0x1AA40] =	vst v63  }
0x32: {  	p0 =	sne.s32 s23, $0x1;
	s23 =	sadd.s32 $0xFFFFFFFF, s23  }
0x33: {  	[spmem:s3] =	stream.indirect.scatter.add.f32 [tilespmem:s17], [sflag:$0x2], $0x10, s24, s18, $0xb8;
	[tilespmem:$0x1AA40] =	vst v63  }
.Ltmp1:
0x34: {  	_ =	swait.ge [sflag:s19], $0x800;
	(pc) =	sbr.rel @p0 .LBB2_2-.Ltmp1, $4  }
0x35: {  	[sflag:s19] =	ssyncset.done $0x0  }
0x36: {  	[sflag:s19] =	ssyncadd.s32 $0xFFFFF800  }
0x37: {  	_ =	swait.ge [sflag:s20], $0x800  }
0x38: {  	[sflag:s20] =	ssyncset.done $0x0  }
.LBB2_3:
0x39: {  	[sflag:s20] =	ssyncadd.s32 $0xFFFFF800  }
0x3a: {  	[bflag:$0x0] =	sbarrier.arrive $0xFFFF  }
0x3b: {  	[hbm:s11], [sflag:s7] =	dma.local [spmem:s14], $0x4E4  }
0x3c: {  	s21 =	sadd.s32 $0x1, s21;
	_ =	swait.ge [sflag:s15], $0x4E4  }
0x3d: {  	p0 =	sne.s32 s21, s13;
	[sflag:s15] =	ssyncset.done $0x0  }
.Ltmp2:
0x3e: {  	[sflag:s15] =	ssyncadd.s32 $0xFFFFFB1C;
	(pc) =	sbr.rel @p0 .LBB2_1-.Ltmp2, $4  }
0x3f: {  	[hbm:s12], [sflag:s7] =	dma.local [spmem:s16], $0x4E4  }
0x40: {  	_ =	swait.ge [sflag:s15], $0x4E4  }
0x41: {  	[sflag:s15] =	ssyncset.done $0x0  }
0x42: {  	[sflag:s15] =	ssyncadd.s32 $0xFFFFFB1C  }
0x43: {  	_ =	sfence.sel $0x180000  }
0x44: {  	[bflag:$0x0] =	sbarrier.arrive $0xFFFF  }
0x45: {  	p0 =	sne.s32 s0, $0x0;
	_ =	strace $0x9000004A  }
0x46: {  	s0 =	sadd.s32 @!p0 $0x100000, s1;
	[bflag:$0x2] =	sbarrier.arrive $0xFFFF  }
0x47: {  	[sflag:s0] =	ssyncadd.tile.s32 @!p0 $0x1;
	_ =	shalt  }
.Lfunc_end2:
_tile_overlayer_lowered:
.L_overlay_start_2:
0x48: {  	(tag) =	ssettag $0x2  }
0x49: {  	s0 =	rddreg [dreg:$0x0];
	s2 =	stileid.u32  }
0x4a: {  	s1 =	rddreg [dreg:$0x1];
	p0 =	sne.s32 s2, $0x0  }
0x4b: {  	s3 =	rddreg [dreg:$0x2];
	[bflag:$0x3] =	sbarrier.arrive $0xFFFF;
	s2 =	simm.s32 @!p0 $0x1C03  }
0x4c: {  	[timem:s3], [sflag:s2] =	dma.local @!p0 [hbm:s0], s1  }
0x4d: {  	s0 =	simm.s32 @!p0 $0x3  }
0x4e: {  	_ =	swait.ge @!p0 [sflag:s0], s1  }
0x4f: {  	s1 =	ssub.s32 @!p0 $0x0, s1;
	[sflag:s0] =	ssyncset.done @!p0 $0x0  }
0x50: {  	[sflag:s0] =	ssyncadd.s32 @!p0 s1  }
0x51: {  	[bflag:$0x3] =	sbarrier.arrive $0xFFFF  }
0x52: {  	_ =	shalt  }

</sc_bundles>
